<compile_context>
chip_gen: v7x
topology: tpu7x:2x2x1
jax: 0.10.2.dev20260603
libtpu: 0.0.44.dev20260713+nightly
codegen_flags: <defaults>
</compile_context>

<pallas_src>
import jax
import jax.numpy as jnp
from jax import lax
from jax.experimental import pallas as pl
from jax.experimental.pallas import tpu as pltpu
from jax.experimental.pallas import tpu_sc as plsc

IC = 256
NE = 8192
ED = 64
NT = 8192
HW = 1024
NB = 8
BETA = 0.25
COMMIT_W = 1.0

TB = 2048
_NCH = 16
_CW = NE // _NCH
RB = 2048


def _argmin_body(z_ref, frozen_ref, w_ref, idx_ref, cb_ref, c2_s, fiota_s):
    i = pl.program_id(0)

    @pl.when(i == 0)
    def _():
        cb = lax.dot_general(
            frozen_ref[...], w_ref[...],
            (((1,), (1,)), ((), ())),
            preferred_element_type=jnp.float32,
        )
        cb_ref[...] = cb
        c2_s[0, :] = jnp.sum(cb * cb, axis=1)
        fiota_s[...] = lax.broadcasted_iota(jnp.int32, (1, NE), 1).astype(
            jnp.float32)

    z = z_ref[...]
    zs = z + z
    z2 = jnp.sum(z * z, axis=1, keepdims=True)
    mins = []
    args = []
    for jj in range(_NCH):
        cbj = cb_ref[pl.ds(jj * _CW, _CW), :]
        zc2 = lax.dot_general(
            zs, cbj,
            (((1,), (1,)), ((), ())),
            preferred_element_type=jnp.float32,
        )
        d = (z2 + c2_s[0:1, pl.ds(jj * _CW, _CW)]) - zc2
        m = jnp.min(d, axis=1, keepdims=True)
        a = jnp.min(
            jnp.where(d == m, fiota_s[0:1, pl.ds(jj * _CW, _CW)], float(NE)),
            axis=1, keepdims=True)
        mins.append(m)
        args.append(a)
    while len(mins) > 1:
        nm, na = [], []
        for k in range(0, len(mins), 2):
            ml, mr = mins[k], mins[k + 1]
            al, ar = args[k], args[k + 1]
            nm.append(jnp.minimum(ml, mr))
            na.append(jnp.where(ml <= mr, al, ar))
        mins, args = nm, na
    idx_ref[0, pl.ds(i * TB, TB)] = args[0][:, 0].astype(jnp.int32)


def _rotate_body(z_ref, zq_ref, rot_ref, loss_ref):
    i = pl.program_id(0)
    e = z_ref[...]
    t = zq_ref[...]
    ns = jnp.sqrt(jnp.sum(e * e, axis=1, keepdims=True))
    nt = jnp.sqrt(jnp.sum(t * t, axis=1, keepdims=True))
    u = e / jnp.clip(ns, 1e-6, None)
    q = t / jnp.clip(nt, 1e-6, None)
    w = u + q
    w = w / jnp.clip(jnp.sqrt(jnp.sum(w * w, axis=1, keepdims=True)), 1e-6, None)
    ew = jnp.sum(e * w, axis=1, keepdims=True)
    eu = jnp.sum(e * u, axis=1, keepdims=True)
    rot = e - 2.0 * ew * w + 2.0 * eu * q
    rot_ref[...] = rot * (nt / jnp.clip(ns, 1e-6, None))
    diff = e - t
    part = jnp.sum(diff * diff).reshape(1, 1)

    @pl.when(i == 0)
    def _():
        loss_ref[...] = part

    @pl.when(i > 0)
    def _():
        loss_ref[...] = loss_ref[...] + part

    @pl.when(i == NT // RB - 1)
    def _():
        mean = loss_ref[...] / float(NT * IC)
        loss_ref[...] = (mean + mean * BETA) * COMMIT_W


_argmin_call = pl.pallas_call(
    _argmin_body,
    grid=(NT // TB,),
    in_specs=[
        pl.BlockSpec((TB, IC), lambda i: (i, 0)),
        pl.BlockSpec((NE, ED), lambda i: (0, 0)),
        pl.BlockSpec((IC, ED), lambda i: (0, 0)),
    ],
    out_specs=[
        pl.BlockSpec((1, NT), lambda i: (0, 0)),
        pl.BlockSpec((NE, IC), lambda i: (0, 0)),
    ],
    out_shape=[
        jax.ShapeDtypeStruct((1, NT), jnp.int32),
        jax.ShapeDtypeStruct((NE, IC), jnp.float32),
    ],
    scratch_shapes=[
        pltpu.VMEM((1, NE), jnp.float32),
        pltpu.VMEM((1, NE), jnp.float32),
    ],
)

_rotate_call = pl.pallas_call(
    _rotate_body,
    grid=(NT // RB,),
    in_specs=[
        pl.BlockSpec((RB, IC), lambda i: (i, 0)),
        pl.BlockSpec((RB, IC), lambda i: (i, 0)),
    ],
    out_specs=[
        pl.BlockSpec((RB, IC), lambda i: (i, 0)),
        pl.BlockSpec((1, 1), lambda i: (0, 0)),
    ],
    out_shape=[
        jax.ShapeDtypeStruct((NT, IC), jnp.float32),
        jax.ShapeDtypeStruct((1, 1), jnp.float32),
    ],
)

_SC_CORES = 2
_SC_SUBCORES = 16
_NW = _SC_CORES * _SC_SUBCORES
_BPW = NT // _NW


_HB = _BPW // 2


def _gather_body(cb_hbm, idx_hbm, out_hbm, idx_v, rows_v0, rows_v1,
                 sem0, sem1, semw0, semw1):
    wid = lax.axis_index("s") * _SC_CORES + lax.axis_index("c")
    base = wid * _BPW
    pltpu.sync_copy(idx_hbm.at[pl.ds(base, _BPW)], idx_v)
    g0 = pltpu.async_copy(cb_hbm.at[idx_v.at[pl.ds(0, _HB)]], rows_v0, sem0)
    g1 = pltpu.async_copy(cb_hbm.at[idx_v.at[pl.ds(_HB, _HB)]], rows_v1, sem1)
    g0.wait()
    w0 = pltpu.async_copy(rows_v0, out_hbm.at[pl.ds(base, _HB)], semw0)
    g1.wait()
    w1 = pltpu.async_copy(rows_v1, out_hbm.at[pl.ds(base + _HB, _HB)], semw1)
    w0.wait()
    w1.wait()


def _gather_call(cb, idx):
    call = pl.kernel(
        _gather_body,
        out_type=jax.ShapeDtypeStruct((NT, IC), jnp.float32),
        mesh=plsc.VectorSubcoreMesh(
            core_axis_name="c", subcore_axis_name="s",
            num_cores=_SC_CORES, num_subcores=_SC_SUBCORES,
        ),
        scratch_types=[
            pltpu.VMEM((_BPW,), jnp.int32),
            pltpu.VMEM((_HB, IC), jnp.float32),
            pltpu.VMEM((_HB, IC), jnp.float32),
            pltpu.SemaphoreType.DMA,
            pltpu.SemaphoreType.DMA,
            pltpu.SemaphoreType.DMA,
            pltpu.SemaphoreType.DMA,
        ],
    )
    return call(cb, idx)


@jax.jit
def kernel(z, frozen_codebook, W):
    z = z.astype(jnp.float32)
    z_flat = jnp.transpose(z, (0, 2, 3, 1)).reshape(NT, IC)
    idx2d, cb = _argmin_call(z_flat, frozen_codebook, W)
    idx = idx2d.reshape(NT)
    z_q_flat = _gather_call(cb, idx)
    rot, loss2d = _rotate_call(z_flat, z_q_flat)
    z_q = jnp.transpose(rot.reshape(NB, 32, 32, IC), (0, 3, 1, 2))
    return (z_q, loss2d[0, 0], idx)

# --- scband reference (transcript-rebuilt; emitter-appended) ---
"""Pipeline reference for scband-sim-vq-10428180595128 (READ-ONLY COPY).

The authoritative reference and input builder live on the scoring server;
editing this copy changes nothing except your own understanding.
"""

import jax, jax.numpy as jnp
import numpy as np

IN_CHANNELS = 256
N_E = 8192
E_DIM = 64
BETA = 0.25
COMMIT_W = 1.0


def _safe_div(num, den, eps=1e-6):
    return num / jnp.clip(den, eps, None)


def _rotate_to(src, tgt):
    # rotation trick (Fifty et al.) as in lucidrains vector-quantize-pytorch
    norm_src = jnp.linalg.norm(src, axis=-1, keepdims=True)
    norm_tgt = jnp.linalg.norm(tgt, axis=-1, keepdims=True)
    u = _safe_div(src, norm_src)
    q = _safe_div(tgt, norm_tgt)
    w = jax.lax.stop_gradient(_safe_div(u + q, jnp.linalg.norm(u + q, axis=-1, keepdims=True)))
    e = src
    ew = jnp.sum(e * w, axis=-1, keepdims=True)
    eu = jnp.sum(e * jax.lax.stop_gradient(u), axis=-1, keepdims=True)
    rotated = e - 2.0 * ew * w + 2.0 * eu * q
    return rotated * jax.lax.stop_gradient(_safe_div(norm_tgt, norm_src))


def setup_inputs(seed: int = 0) -> dict:
    key = jax.random.key(seed)
    k1, k2, k3 = jax.random.split(key, 3)
    z = jax.random.normal(k1, (8, IN_CHANNELS, 32, 32), dtype=jnp.float32)
    frozen_codebook = jax.random.normal(k2, (N_E, E_DIM), dtype=jnp.float32) * (E_DIM ** -0.5)
    # nn.Linear(e_dim, in_channels, bias=False) weight: [in_channels, e_dim]
    W = jax.random.normal(k3, (IN_CHANNELS, E_DIM), dtype=jnp.float32) * (1.0 / np.sqrt(E_DIM))
    return {"z": z, "frozen_codebook": frozen_codebook, "W": W}


def reference(z, frozen_codebook, W):
    z = z.astype(jnp.float32)
    # b c h w -> b h w c
    z = jnp.transpose(z, (0, 2, 3, 1))
    z_flat = z.reshape(-1, IN_CHANNELS)
    # implicit codebook = Linear(frozen_codebook)
    codebook = frozen_codebook @ W.T  # [N_E, IN_CHANNELS]
    # nearest-neighbor distances (no grad)
    d = (jnp.sum(z_flat ** 2, axis=1, keepdims=True)
         + jnp.sum(codebook ** 2, axis=1)
         - 2.0 * jnp.einsum('bd,nd->bn', z_flat, codebook))
    indices = jnp.argmin(jax.lax.stop_gradient(d), axis=1)
    z_q_flat = jnp.take(codebook, indices, axis=0)
    loss = (jnp.mean((jax.lax.stop_gradient(z_flat) - z_q_flat) ** 2)
            + jnp.mean((z_flat - jax.lax.stop_gradient(z_q_flat)) ** 2) * BETA) * COMMIT_W
    # rotation trick straight-through
    z_q_flat = _rotate_to(z_flat, z_q_flat)
    z_q = z_q_flat.reshape(z.shape)
    # b h w c -> b c h w
    z_q = jnp.transpose(z_q, (0, 3, 1, 2))
    return (z_q, loss, indices)

if __name__ == "__main__":
    import jax
    _d = setup_inputs()
    print(jax.jit(kernel)(*tuple(_d.values())))

</pallas_src>

<mosaic_0001>
#map = affine_map<(d0, d1) -> (0, 0)>
#map1 = affine_map<(d0, d1) -> (0)>
module attributes {stable_mosaic.version = 14 : i64} {
  func.func @_gather_body(%arg0: i32, %arg1: i32, %arg2: memref<8192x256xf32, #tpu.memory_space<hbm>>, %arg3: memref<8192xi32, #tpu.memory_space<hbm>>, %arg4: memref<8192x256xf32, #tpu.memory_space<hbm>>, %arg5: memref<256xi32, #tpu.memory_space<vmem>>, %arg6: memref<128x256xf32, #tpu.memory_space<vmem>>, %arg7: memref<128x256xf32, #tpu.memory_space<vmem>>, %arg8: memref<!tpu.dma_semaphore, #tpu.memory_space<semaphore_mem>>, %arg9: memref<!tpu.dma_semaphore, #tpu.memory_space<semaphore_mem>>, %arg10: memref<!tpu.dma_semaphore, #tpu.memory_space<semaphore_mem>>, %arg11: memref<!tpu.dma_semaphore, #tpu.memory_space<semaphore_mem>>) attributes {dimension_semantics = [#tpu.dimension_semantics<core_parallel>, #tpu.dimension_semantics<subcore_parallel>], iteration_bounds = array<i64: 2, 16>, scalar_prefetch = 0 : i64, scratch_operands = 7 : i64, tpu.core_type = #tpu.core_type<sc_vector_subcore>, window_params = [{transform_indices = #map}, {transform_indices = #map1}, {transform_indices = #map}]} {
    %mul3A = arith.constant 2 : i32
    %mul3A_0 = arith.muli %arg1, %mul3A : i32
    %add3A = arith.addi %mul3A_0, %arg0 : i32
    %mul3A_1 = arith.constant 256 : i32
    %mul3A_2 = arith.muli %add3A, %mul3A_1 : i32
    "tpu.region"() ({
      %run_scoped3A = tpu.sem_alloc : memref<!tpu.dma_semaphore, #tpu.memory_space<semaphore_mem>>
      %dma_start3A_39 = tpu.memref_slice %arg3[%mul3A_2] : memref<8192xi32, #tpu.memory_space<hbm>> -> memref<256xi32, #tpu.memory_space<hbm>>
      %dma_start3A_40 = tpu.memref_slice %arg3[%mul3A_2] : memref<8192xi32, #tpu.memory_space<hbm>> -> memref<256xi32, #tpu.memory_space<hbm>>
      tpu.enqueue_dma source(%dma_start3A_40 : memref<256xi32, #tpu.memory_space<hbm>>) target(%arg5 : memref<256xi32, #tpu.memory_space<vmem>>) target_semaphore(%run_scoped3A : memref<!tpu.dma_semaphore, #tpu.memory_space<semaphore_mem>>)
      %dma_wait3A_41 = tpu.memref_slice %arg3[%mul3A_2] : memref<8192xi32, #tpu.memory_space<hbm>> -> memref<256xi32, #tpu.memory_space<hbm>>
      %dma_wait3A_42 = tpu.memref_slice %arg3[%mul3A_2] : memref<8192xi32, #tpu.memory_space<hbm>> -> memref<256xi32, #tpu.memory_space<hbm>>
      tpu.wait_dma2 semaphore(%run_scoped3A : memref<!tpu.dma_semaphore, #tpu.memory_space<semaphore_mem>>) src(%dma_wait3A_42 : memref<256xi32, #tpu.memory_space<hbm>>) dst(%arg5 : memref<256xi32, #tpu.memory_space<vmem>>)
      tpu.yield
    }) : () -> ()
    %dma_start3A = arith.constant 0 : i32
    %dma_start3A_3 = tpu.memref_slice %arg5[%dma_start3A] : memref<256xi32, #tpu.memory_space<vmem>> -> memref<128xi32, #tpu.memory_space<vmem>>
    %dma_start3A_4 = arith.constant 0 : i32
    %dma_start3A_5 = arith.constant 0 : i32
    %dma_start3A_6 = tpu.memref_slice %arg2[%dma_start3A_4, %dma_start3A_5] : memref<8192x256xf32, #tpu.memory_space<hbm>> -> memref<8192x256xf32, #tpu.memory_space<hbm>>
    tpu.enqueue_indirect_dma source(%dma_start3A_6 : memref<8192x256xf32, #tpu.memory_space<hbm>>) target(%arg6 : memref<128x256xf32, #tpu.memory_space<vmem>>) offsets(%dma_start3A_3 : memref<128xi32, #tpu.memory_space<vmem>>) semaphore(%arg8 : memref<!tpu.dma_semaphore, #tpu.memory_space<semaphore_mem>>)
    %dma_start3A_7 = arith.constant 128 : i32
    %dma_start3A_8 = tpu.memref_slice %arg5[%dma_start3A_7] : memref<256xi32, #tpu.memory_space<vmem>> -> memref<128xi32, #tpu.memory_space<vmem>>
    %dma_start3A_9 = arith.constant 0 : i32
    %dma_start3A_10 = arith.constant 0 : i32
    %dma_start3A_11 = tpu.memref_slice %arg2[%dma_start3A_9, %dma_start3A_10] : memref<8192x256xf32, #tpu.memory_space<hbm>> -> memref<8192x256xf32, #tpu.memory_space<hbm>>
    tpu.enqueue_indirect_dma source(%dma_start3A_11 : memref<8192x256xf32, #tpu.memory_space<hbm>>) target(%arg7 : memref<128x256xf32, #tpu.memory_space<vmem>>) offsets(%dma_start3A_8 : memref<128xi32, #tpu.memory_space<vmem>>) semaphore(%arg9 : memref<!tpu.dma_semaphore, #tpu.memory_space<semaphore_mem>>)
    %dma_wait3A = arith.constant 0 : i32
    %dma_wait3A_12 = tpu.memref_slice %arg5[%dma_wait3A] : memref<256xi32, #tpu.memory_space<vmem>> -> memref<128xi32, #tpu.memory_space<vmem>>
    %dma_wait3A_13 = arith.constant 0 : i32
    %dma_wait3A_14 = arith.constant 0 : i32
    %dma_wait3A_15 = tpu.memref_slice %arg2[%dma_wait3A_13, %dma_wait3A_14] : memref<8192x256xf32, #tpu.memory_space<hbm>> -> memref<8192x256xf32, #tpu.memory_space<hbm>>
    tpu.wait_indirect_dma semaphore(%arg8 : memref<!tpu.dma_semaphore, #tpu.memory_space<semaphore_mem>>) src(%dma_wait3A_15 : memref<8192x256xf32, #tpu.memory_space<hbm>>) dst(%arg6 : memref<128x256xf32, #tpu.memory_space<vmem>>)
    %dma_start3A_16 = arith.constant 0 : i32
    %dma_start3A_17 = tpu.memref_slice %arg4[%mul3A_2, %dma_start3A_16] : memref<8192x256xf32, #tpu.memory_space<hbm>> -> memref<128x256xf32, #tpu.memory_space<hbm>>
    %dma_start3A_18 = arith.constant 0 : i32
    %dma_start3A_19 = tpu.memref_slice %arg4[%mul3A_2, %dma_start3A_18] : memref<8192x256xf32, #tpu.memory_space<hbm>> -> memref<128x256xf32, #tpu.memory_space<hbm>>
    tpu.enqueue_dma source(%arg6 : memref<128x256xf32, #tpu.memory_space<vmem>>) target(%dma_start3A_19 : memref<128x256xf32, #tpu.memory_space<hbm>>) target_semaphore(%arg10 : memref<!tpu.dma_semaphore, #tpu.memory_space<semaphore_mem>>)
    %dma_wait3A_20 = arith.constant 128 : i32
    %dma_wait3A_21 = tpu.memref_slice %arg5[%dma_wait3A_20] : memref<256xi32, #tpu.memory_space<vmem>> -> memref<128xi32, #tpu.memory_space<vmem>>
    %dma_wait3A_22 = arith.constant 0 : i32
    %dma_wait3A_23 = arith.constant 0 : i32
    %dma_wait3A_24 = tpu.memref_slice %arg2[%dma_wait3A_22, %dma_wait3A_23] : memref<8192x256xf32, #tpu.memory_space<hbm>> -> memref<8192x256xf32, #tpu.memory_space<hbm>>
    tpu.wait_indirect_dma semaphore(%arg9 : memref<!tpu.dma_semaphore, #tpu.memory_space<semaphore_mem>>) src(%dma_wait3A_24 : memref<8192x256xf32, #tpu.memory_space<hbm>>) dst(%arg7 : memref<128x256xf32, #tpu.memory_space<vmem>>)
    %add3A_25 = arith.constant 128 : i32
    %add3A_26 = arith.addi %mul3A_2, %add3A_25 : i32
    %dma_start3A_27 = arith.constant 0 : i32
    %dma_start3A_28 = tpu.memref_slice %arg4[%add3A_26, %dma_start3A_27] : memref<8192x256xf32, #tpu.memory_space<hbm>> -> memref<128x256xf32, #tpu.memory_space<hbm>>
    %dma_start3A_29 = arith.constant 0 : i32
    %dma_start3A_30 = tpu.memref_slice %arg4[%add3A_26, %dma_start3A_29] : memref<8192x256xf32, #tpu.memory_space<hbm>> -> memref<128x256xf32, #tpu.memory_space<hbm>>
    tpu.enqueue_dma source(%arg7 : memref<128x256xf32, #tpu.memory_space<vmem>>) target(%dma_start3A_30 : memref<128x256xf32, #tpu.memory_space<hbm>>) target_semaphore(%arg11 : memref<!tpu.dma_semaphore, #tpu.memory_space<semaphore_mem>>)
    %dma_wait3A_31 = arith.constant 0 : i32
    %dma_wait3A_32 = tpu.memref_slice %arg4[%mul3A_2, %dma_wait3A_31] : memref<8192x256xf32, #tpu.memory_space<hbm>> -> memref<128x256xf32, #tpu.memory_space<hbm>>
    %dma_wait3A_33 = arith.constant 0 : i32
    %dma_wait3A_34 = tpu.memref_slice %arg4[%mul3A_2, %dma_wait3A_33] : memref<8192x256xf32, #tpu.memory_space<hbm>> -> memref<128x256xf32, #tpu.memory_space<hbm>>
    tpu.wait_dma2 semaphore(%arg10 : memref<!tpu.dma_semaphore, #tpu.memory_space<semaphore_mem>>) src(%arg6 : memref<128x256xf32, #tpu.memory_space<vmem>>) dst(%dma_wait3A_34 : memref<128x256xf32, #tpu.memory_space<hbm>>)
    %dma_wait3A_35 = arith.constant 0 : i32
    %dma_wait3A_36 = tpu.memref_slice %arg4[%add3A_26, %dma_wait3A_35] : memref<8192x256xf32, #tpu.memory_space<hbm>> -> memref<128x256xf32, #tpu.memory_space<hbm>>
    %dma_wait3A_37 = arith.constant 0 : i32
    %dma_wait3A_38 = tpu.memref_slice %arg4[%add3A_26, %dma_wait3A_37] : memref<8192x256xf32, #tpu.memory_space<hbm>> -> memref<128x256xf32, #tpu.memory_space<hbm>>
    tpu.wait_dma2 semaphore(%arg11 : memref<!tpu.dma_semaphore, #tpu.memory_space<semaphore_mem>>) src(%arg7 : memref<128x256xf32, #tpu.memory_space<vmem>>) dst(%dma_wait3A_38 : memref<128x256xf32, #tpu.memory_space<hbm>>)
    return
  }
}

module attributes {stable_mosaic.version = 14 : i64} {
  func.func @_argmin_body(%arg0: i32, %arg1: memref<2048x256xf32, #tpu.memory_space<vmem>>, %arg2: memref<8192x64xf32, #tpu.memory_space<vmem>>, %arg3: memref<256x64xf32, #tpu.memory_space<vmem>>, %arg4: memref<1x8192xi32, #tpu.memory_space<vmem>>, %arg5: memref<8192x256xf32, #tpu.memory_space<vmem>>, %arg6: memref<1x8192xf32, #tpu.memory_space<vmem>>, %arg7: memref<1x8192xf32, #tpu.memory_space<vmem>>) attributes {dimension_semantics = [#tpu.dimension_semantics<arbitrary>], iteration_bounds = array<i64: 4>, scalar_prefetch = 0 : i64, scratch_operands = 2 : i64, tpu.core_type = #tpu.core_type<tc>, window_params = [{transform_indices = @transform_0, window_bounds = array<i64: 2048, 256>}, {pipeline_mode = #tpu.pipeline_mode<synchronous>, transform_indices = @transform_1, window_bounds = array<i64: 8192, 64>}, {pipeline_mode = #tpu.pipeline_mode<synchronous>, transform_indices = @transform_2, window_bounds = array<i64: 256, 64>}, {pipeline_mode = #tpu.pipeline_mode<synchronous>, transform_indices = @transform_3, window_bounds = array<i64: 1, 8192>}, {pipeline_mode = #tpu.pipeline_mode<synchronous>, transform_indices = @transform_4, window_bounds = array<i64: 8192, 256>}]} {
    %eq3A = arith.constant 0 : i32
    %eq3A_0 = arith.cmpi eq, %arg0, %eq3A : i32
    %convert_element_type3A = arith.extui %eq3A_0 : i1 to i32
    %cond3A = arith.constant 0 : i32
    %cond3A_1 = arith.cmpi ne, %convert_element_type3A, %cond3A : i32
    scf.if %cond3A_1 {
      %get3A_497 = arith.constant 0 : index
      %get3A_498 = arith.constant 0 : index
      %get3A_499 = vector.load %arg2[%get3A_497, %get3A_498] : memref<8192x64xf32, #tpu.memory_space<vmem>>, vector<8192x64xf32>
      %get3A_500 = arith.constant 0 : index
      %get3A_501 = arith.constant 0 : index
      %get3A_502 = vector.load %arg3[%get3A_500, %get3A_501] : memref<256x64xf32, #tpu.memory_space<vmem>>, vector<256x64xf32>
      %dot_general3A_503 = arith.constant dense<0.000000e+00> : vector<8192x256xf32>
      %dot_general3A_504 = tpu.matmul %get3A_499, %get3A_502, %dot_general3A_503 {dimension_numbers = #tpu.dot_dimension_numbers<[1], [1], [0], [0], [0, 0, 1, 0], [], []>, transpose_lhs_hint = false} : vector<8192x64xf32>, vector<256x64xf32>, vector<8192x256xf32> -> vector<8192x256xf32>
      %swap3A_505 = arith.constant 0 : index
      %swap3A_506 = arith.constant 0 : index
      %swap3A_507 = vector.load %arg5[%swap3A_505, %swap3A_506] : memref<8192x256xf32, #tpu.memory_space<vmem>>, vector<8192x256xf32>
      tpu.vector_store %arg5[%swap3A_505, %swap3A_506], %dot_general3A_504 {strides = array<i32>} : memref<8192x256xf32, #tpu.memory_space<vmem>>, vector<8192x256xf32>,
      %mul3A_508 = arith.mulf %dot_general3A_504, %dot_general3A_504 : vector<8192x256xf32>
      %reduce_sum3A_509 = arith.constant dense<0.000000e+00> : vector<8192xf32>
      %reduce_sum3A_510 = vector.multi_reduction <add>, %mul3A_508, %reduce_sum3A_509 [1] : vector<8192x256xf32> to vector<8192xf32>
      %swap3A_511 = arith.constant 0 : index
      %swap3A_512 = arith.constant 0 : index
      %swap3A_513 = vector.load %arg6[%swap3A_511, %swap3A_512] : memref<1x8192xf32, #tpu.memory_space<vmem>>, vector<1x8192xf32>
      %swap3A_514 = vector.shape_cast %swap3A_513 : vector<1x8192xf32> to vector<8192xf32>
      %swap3A_515 = vector.shape_cast %reduce_sum3A_510 : vector<8192xf32> to vector<1x8192xf32>
      tpu.vector_store %arg6[%swap3A_511, %swap3A_512], %swap3A_515 {strides = array<i32>} : memref<1x8192xf32, #tpu.memory_space<vmem>>, vector<1x8192xf32>,
      %iota3A = tpu.iota {dimensions = array<i32: 1>} : vector<1x8192xi32>
      %convert_element_type3A_516 = arith.sitofp %iota3A : vector<1x8192xi32> to vector<1x8192xf32>
      %swap3A_517 = arith.constant 0 : index
      %swap3A_518 = arith.constant 0 : index
      %swap3A_519 = vector.load %arg7[%swap3A_517, %swap3A_518] : memref<1x8192xf32, #tpu.memory_space<vmem>>, vector<1x8192xf32>
      tpu.vector_store %arg7[%swap3A_517, %swap3A_518], %convert_element_type3A_516 {strides = array<i32>} : memref<1x8192xf32, #tpu.memory_space<vmem>>, vector<1x8192xf32>,
    } else {
    }
    %get3A = arith.constant 0 : index
    %get3A_2 = arith.constant 0 : index
    %get3A_3 = vector.load %arg1[%get3A, %get3A_2] : memref<2048x256xf32, #tpu.memory_space<vmem>>, vector<2048x256xf32>
    %add3A = arith.addf %get3A_3, %get3A_3 : vector<2048x256xf32>
    %mul3A = arith.mulf %get3A_3, %get3A_3 : vector<2048x256xf32>
    %reduce_sum3A = arith.constant dense<0.000000e+00> : vector<2048xf32>
    %reduce_sum3A_4 = vector.multi_reduction <add>, %mul3A, %reduce_sum3A [1] : vector<2048x256xf32> to vector<2048xf32>
    %broadcast_in_dim3A = vector.shape_cast %reduce_sum3A_4 : vector<2048xf32> to vector<2048x1xf32>
    %get3A_5 = arith.constant 0 : index
    %get3A_6 = arith.constant 0 : index
    %get3A_7 = vector.load %arg5[%get3A_5, %get3A_6] : memref<8192x256xf32, #tpu.memory_space<vmem>>, vector<512x256xf32>
    %dot_general3A = arith.constant dense<0.000000e+00> : vector<2048x512xf32>
    %dot_general3A_8 = tpu.matmul %add3A, %get3A_7, %dot_general3A {dimension_numbers = #tpu.dot_dimension_numbers<[1], [1], [0], [0], [0, 0, 1, 0], [], []>, transpose_lhs_hint = false} : vector<2048x256xf32>, vector<512x256xf32>, vector<2048x512xf32> -> vector<2048x512xf32>
    %get3A_9 = arith.constant 0 : index
    %get3A_10 = arith.constant 0 : index
    %get3A_11 = vector.load %arg6[%get3A_9, %get3A_10] : memref<1x8192xf32, #tpu.memory_space<vmem>>, vector<1x512xf32>
    %add3A_12 = vector.broadcast %broadcast_in_dim3A : vector<2048x1xf32> to vector<2048x512xf32>
    %add3A_13 = vector.broadcast %get3A_11 : vector<1x512xf32> to vector<2048x512xf32>
    %add3A_14 = arith.addf %add3A_12, %add3A_13 : vector<2048x512xf32>
    %sub3A = arith.subf %add3A_14, %dot_general3A_8 : vector<2048x512xf32>
    %reduce_min3A = arith.constant dense<0x7F800000> : vector<2048xf32>
    %reduce_min3A_15 = vector.multi_reduction <minimumf>, %sub3A, %reduce_min3A [1] : vector<2048x512xf32> to vector<2048xf32>
    %broadcast_in_dim3A_16 = vector.shape_cast %reduce_min3A_15 : vector<2048xf32> to vector<2048x1xf32>
    %eq3A_17 = vector.broadcast %broadcast_in_dim3A_16 : vector<2048x1xf32> to vector<2048x512xf32>
    %eq3A_18 = arith.cmpf oeq, %sub3A, %eq3A_17 : vector<2048x512xf32>
    %get3A_19 = arith.constant 0 : index
    %get3A_20 = arith.constant 0 : index
    %get3A_21 = vector.load %arg7[%get3A_19, %get3A_20] : memref<1x8192xf32, #tpu.memory_space<vmem>>, vector<1x512xf32>
    %jit3A = arith.constant 8.192000e+03 : f32
    %broadcast_in_dim3A_22 = vector.shape_cast %get3A_21 : vector<1x512xf32> to vector<1x512xf32>
    %broadcast_in_dim3A_23 = vector.broadcast %broadcast_in_dim3A_22 : vector<1x512xf32> to vector<2048x512xf32>
    %broadcast_in_dim3A_24 = vector.broadcast %jit3A : f32 to vector<2048x512xf32>
    %select_n3A = arith.select %eq3A_18, %broadcast_in_dim3A_23, %broadcast_in_dim3A_24 : vector<2048x512xi1>, vector<2048x512xf32>
    %reduce_min3A_25 = arith.constant dense<0x7F800000> : vector<2048xf32>
    %reduce_min3A_26 = vector.multi_reduction <minimumf>, %select_n3A, %reduce_min3A_25 [1] : vector<2048x512xf32> to vector<2048xf32>
    %broadcast_in_dim3A_27 = vector.shape_cast %reduce_min3A_26 : vector<2048xf32> to vector<2048x1xf32>
    %get3A_28 = arith.constant 512 : index
    %get3A_29 = arith.constant 0 : index
    %get3A_30 = vector.load %arg5[%get3A_28, %get3A_29] : memref<8192x256xf32, #tpu.memory_space<vmem>>, vector<512x256xf32>
    %dot_general3A_31 = arith.constant dense<0.000000e+00> : vector<2048x512xf32>
    %dot_general3A_32 = tpu.matmul %add3A, %get3A_30, %dot_general3A_31 {dimension_numbers = #tpu.dot_dimension_numbers<[1], [1], [0], [0], [0, 0, 1, 0], [], []>, transpose_lhs_hint = false} : vector<2048x256xf32>, vector<512x256xf32>, vector<2048x512xf32> -> vector<2048x512xf32>
    %get3A_33 = arith.constant 0 : index
    %get3A_34 = arith.constant 512 : index
    %get3A_35 = vector.load %arg6[%get3A_33, %get3A_34] : memref<1x8192xf32, #tpu.memory_space<vmem>>, vector<1x512xf32>
    %add3A_36 = vector.broadcast %broadcast_in_dim3A : vector<2048x1xf32> to vector<2048x512xf32>
    %add3A_37 = vector.broadcast %get3A_35 : vector<1x512xf32> to vector<2048x512xf32>
    %add3A_38 = arith.addf %add3A_36, %add3A_37 : vector<2048x512xf32>
    %sub3A_39 = arith.subf %add3A_38, %dot_general3A_32 : vector<2048x512xf32>
    %reduce_min3A_40 = arith.constant dense<0x7F800000> : vector<2048xf32>
    %reduce_min3A_41 = vector.multi_reduction <minimumf>, %sub3A_39, %reduce_min3A_40 [1] : vector<2048x512xf32> to vector<2048xf32>
    %broadcast_in_dim3A_42 = vector.shape_cast %reduce_min3A_41 : vector<2048xf32> to vector<2048x1xf32>
    %eq3A_43 = vector.broadcast %broadcast_in_dim3A_42 : vector<2048x1xf32> to vector<2048x512xf32>
    %eq3A_44 = arith.cmpf oeq, %sub3A_39, %eq3A_43 : vector<2048x512xf32>
    %get3A_45 = arith.constant 0 : index
    %get3A_46 = arith.constant 512 : index
    %get3A_47 = vector.load %arg7[%get3A_45, %get3A_46] : memref<1x8192xf32, #tpu.memory_space<vmem>>, vector<1x512xf32>
    %jit3A_48 = arith.constant 8.192000e+03 : f32
    %broadcast_in_dim3A_49 = vector.shape_cast %get3A_47 : vector<1x512xf32> to vector<1x512xf32>
    %broadcast_in_dim3A_50 = vector.broadcast %broadcast_in_dim3A_49 : vector<1x512xf32> to vector<2048x512xf32>
    %broadcast_in_dim3A_51 = vector.broadcast %jit3A_48 : f32 to vector<2048x512xf32>
    %select_n3A_52 = arith.select %eq3A_44, %broadcast_in_dim3A_50, %broadcast_in_dim3A_51 : vector<2048x512xi1>, vector<2048x512xf32>
    %reduce_min3A_53 = arith.constant dense<0x7F800000> : vector<2048xf32>
    %reduce_min3A_54 = vector.multi_reduction <minimumf>, %select_n3A_52, %reduce_min3A_53 [1] : vector<2048x512xf32> to vector<2048xf32>
    %broadcast_in_dim3A_55 = vector.shape_cast %reduce_min3A_54 : vector<2048xf32> to vector<2048x1xf32>
    %get3A_56 = arith.constant 1024 : index
    %get3A_57 = arith.constant 0 : index
    %get3A_58 = vector.load %arg5[%get3A_56, %get3A_57] : memref<8192x256xf32, #tpu.memory_space<vmem>>, vector<512x256xf32>
    %dot_general3A_59 = arith.constant dense<0.000000e+00> : vector<2048x512xf32>
    %dot_general3A_60 = tpu.matmul %add3A, %get3A_58, %dot_general3A_59 {dimension_numbers = #tpu.dot_dimension_numbers<[1], [1], [0], [0], [0, 0, 1, 0], [], []>, transpose_lhs_hint = false} : vector<2048x256xf32>, vector<512x256xf32>, vector<2048x512xf32> -> vector<2048x512xf32>
    %get3A_61 = arith.constant 0 : index
    %get3A_62 = arith.constant 1024 : index
    %get3A_63 = vector.load %arg6[%get3A_61, %get3A_62] : memref<1x8192xf32, #tpu.memory_space<vmem>>, vector<1x512xf32>
    %add3A_64 = vector.broadcast %broadcast_in_dim3A : vector<2048x1xf32> to vector<2048x512xf32>
    %add3A_65 = vector.broadcast %get3A_63 : vector<1x512xf32> to vector<2048x512xf32>
    %add3A_66 = arith.addf %add3A_64, %add3A_65 : vector<2048x512xf32>
    %sub3A_67 = arith.subf %add3A_66, %dot_general3A_60 : vector<2048x512xf32>
    %reduce_min3A_68 = arith.constant dense<0x7F800000> : vector<2048xf32>
    %reduce_min3A_69 = vector.multi_reduction <minimumf>, %sub3A_67, %reduce_min3A_68 [1] : vector<2048x512xf32> to vector<2048xf32>
    %broadcast_in_dim3A_70 = vector.shape_cast %reduce_min3A_69 : vector<2048xf32> to vector<2048x1xf32>
    %eq3A_71 = vector.broadcast %broadcast_in_dim3A_70 : vector<2048x1xf32> to vector<2048x512xf32>
    %eq3A_72 = arith.cmpf oeq, %sub3A_67, %eq3A_71 : vector<2048x512xf32>
    %get3A_73 = arith.constant 0 : index
    %get3A_74 = arith.constant 1024 : index
    %get3A_75 = vector.load %arg7[%get3A_73, %get3A_74] : memref<1x8192xf32, #tpu.memory_space<vmem>>, vector<1x512xf32>
    %jit3A_76 = arith.constant 8.192000e+03 : f32
    %broadcast_in_dim3A_77 = vector.shape_cast %get3A_75 : vector<1x512xf32> to vector<1x512xf32>
    %broadcast_in_dim3A_78 = vector.broadcast %broadcast_in_dim3A_77 : vector<1x512xf32> to vector<2048x512xf32>
    %broadcast_in_dim3A_79 = vector.broadcast %jit3A_76 : f32 to vector<2048x512xf32>
    %select_n3A_80 = arith.select %eq3A_72, %broadcast_in_dim3A_78, %broadcast_in_dim3A_79 : vector<2048x512xi1>, vector<2048x512xf32>
    %reduce_min3A_81 = arith.constant dense<0x7F800000> : vector<2048xf32>
    %reduce_min3A_82 = vector.multi_reduction <minimumf>, %select_n3A_80, %reduce_min3A_81 [1] : vector<2048x512xf32> to vector<2048xf32>
    %broadcast_in_dim3A_83 = vector.shape_cast %reduce_min3A_82 : vector<2048xf32> to vector<2048x1xf32>
    %get3A_84 = arith.constant 1536 : index
    %get3A_85 = arith.constant 0 : index
    %get3A_86 = vector.load %arg5[%get3A_84, %get3A_85] : memref<8192x256xf32, #tpu.memory_space<vmem>>, vector<512x256xf32>
    %dot_general3A_87 = arith.constant dense<0.000000e+00> : vector<2048x512xf32>
    %dot_general3A_88 = tpu.matmul %add3A, %get3A_86, %dot_general3A_87 {dimension_numbers = #tpu.dot_dimension_numbers<[1], [1], [0], [0], [0, 0, 1, 0], [], []>, transpose_lhs_hint = false} : vector<2048x256xf32>, vector<512x256xf32>, vector<2048x512xf32> -> vector<2048x512xf32>
    %get3A_89 = arith.constant 0 : index
    %get3A_90 = arith.constant 1536 : index
    %get3A_91 = vector.load %arg6[%get3A_89, %get3A_90] : memref<1x8192xf32, #tpu.memory_space<vmem>>, vector<1x512xf32>
    %add3A_92 = vector.broadcast %broadcast_in_dim3A : vector<2048x1xf32> to vector<2048x512xf32>
    %add3A_93 = vector.broadcast %get3A_91 : vector<1x512xf32> to vector<2048x512xf32>
    %add3A_94 = arith.addf %add3A_92, %add3A_93 : vector<2048x512xf32>
    %sub3A_95 = arith.subf %add3A_94, %dot_general3A_88 : vector<2048x512xf32>
    %reduce_min3A_96 = arith.constant dense<0x7F800000> : vector<2048xf32>
    %reduce_min3A_97 = vector.multi_reduction <minimumf>, %sub3A_95, %reduce_min3A_96 [1] : vector<2048x512xf32> to vector<2048xf32>
    %broadcast_in_dim3A_98 = vector.shape_cast %reduce_min3A_97 : vector<2048xf32> to vector<2048x1xf32>
    %eq3A_99 = vector.broadcast %broadcast_in_dim3A_98 : vector<2048x1xf32> to vector<2048x512xf32>
    %eq3A_100 = arith.cmpf oeq, %sub3A_95, %eq3A_99 : vector<2048x512xf32>
    %get3A_101 = arith.constant 0 : index
    %get3A_102 = arith.constant 1536 : index
    %get3A_103 = vector.load %arg7[%get3A_101, %get3A_102] : memref<1x8192xf32, #tpu.memory_space<vmem>>, vector<1x512xf32>
    %jit3A_104 = arith.constant 8.192000e+03 : f32
    %broadcast_in_dim3A_105 = vector.shape_cast %get3A_103 : vector<1x512xf32> to vector<1x512xf32>
    %broadcast_in_dim3A_106 = vector.broadcast %broadcast_in_dim3A_105 : vector<1x512xf32> to vector<2048x512xf32>
    %broadcast_in_dim3A_107 = vector.broadcast %jit3A_104 : f32 to vector<2048x512xf32>
    %select_n3A_108 = arith.select %eq3A_100, %broadcast_in_dim3A_106, %broadcast_in_dim3A_107 : vector<2048x512xi1>, vector<2048x512xf32>
    %reduce_min3A_109 = arith.constant dense<0x7F800000> : vector<2048xf32>
    %reduce_min3A_110 = vector.multi_reduction <minimumf>, %select_n3A_108, %reduce_min3A_109 [1] : vector<2048x512xf32> to vector<2048xf32>
    %broadcast_in_dim3A_111 = vector.shape_cast %reduce_min3A_110 : vector<2048xf32> to vector<2048x1xf32>
    %get3A_112 = arith.constant 2048 : index
    %get3A_113 = arith.constant 0 : index
    %get3A_114 = vector.load %arg5[%get3A_112, %get3A_113] : memref<8192x256xf32, #tpu.memory_space<vmem>>, vector<512x256xf32>
    %dot_general3A_115 = arith.constant dense<0.000000e+00> : vector<2048x512xf32>
    %dot_general3A_116 = tpu.matmul %add3A, %get3A_114, %dot_general3A_115 {dimension_numbers = #tpu.dot_dimension_numbers<[1], [1], [0], [0], [0, 0, 1, 0], [], []>, transpose_lhs_hint = false} : vector<2048x256xf32>, vector<512x256xf32>, vector<2048x512xf32> -> vector<2048x512xf32>
    %get3A_117 = arith.constant 0 : index
    %get3A_118 = arith.constant 2048 : index
    %get3A_119 = vector.load %arg6[%get3A_117, %get3A_118] : memref<1x8192xf32, #tpu.memory_space<vmem>>, vector<1x512xf32>
    %add3A_120 = vector.broadcast %broadcast_in_dim3A : vector<2048x1xf32> to vector<2048x512xf32>
    %add3A_121 = vector.broadcast %get3A_119 : vector<1x512xf32> to vector<2048x512xf32>
    %add3A_122 = arith.addf %add3A_120, %add3A_121 : vector<2048x512xf32>
    %sub3A_123 = arith.subf %add3A_122, %dot_general3A_116 : vector<2048x512xf32>
    %reduce_min3A_124 = arith.constant dense<0x7F800000> : vector<2048xf32>
    %reduce_min3A_125 = vector.multi_reduction <minimumf>, %sub3A_123, %reduce_min3A_124 [1] : vector<2048x512xf32> to vector<2048xf32>
    %broadcast_in_dim3A_126 = vector.shape_cast %reduce_min3A_125 : vector<2048xf32> to vector<2048x1xf32>
    %eq3A_127 = vector.broadcast %broadcast_in_dim3A_126 : vector<2048x1xf32> to vector<2048x512xf32>
    %eq3A_128 = arith.cmpf oeq, %sub3A_123, %eq3A_127 : vector<2048x512xf32>
    %get3A_129 = arith.constant 0 : index
    %get3A_130 = arith.constant 2048 : index
    %get3A_131 = vector.load %arg7[%get3A_129, %get3A_130] : memref<1x8192xf32, #tpu.memory_space<vmem>>, vector<1x512xf32>
    %jit3A_132 = arith.constant 8.192000e+03 : f32
    %broadcast_in_dim3A_133 = vector.shape_cast %get3A_131 : vector<1x512xf32> to vector<1x512xf32>
    %broadcast_in_dim3A_134 = vector.broadcast %broadcast_in_dim3A_133 : vector<1x512xf32> to vector<2048x512xf32>
    %broadcast_in_dim3A_135 = vector.broadcast %jit3A_132 : f32 to vector<2048x512xf32>
    %select_n3A_136 = arith.select %eq3A_128, %broadcast_in_dim3A_134, %broadcast_in_dim3A_135 : vector<2048x512xi1>, vector<2048x512xf32>
    %reduce_min3A_137 = arith.constant dense<0x7F800000> : vector<2048xf32>
    %reduce_min3A_138 = vector.multi_reduction <minimumf>, %select_n3A_136, %reduce_min3A_137 [1] : vector<2048x512xf32> to vector<2048xf32>
    %broadcast_in_dim3A_139 = vector.shape_cast %reduce_min3A_138 : vector<2048xf32> to vector<2048x1xf32>
    %get3A_140 = arith.constant 2560 : index
    %get3A_141 = arith.constant 0 : index
    %get3A_142 = vector.load %arg5[%get3A_140, %get3A_141] : memref<8192x256xf32, #tpu.memory_space<vmem>>, vector<512x256xf32>
    %dot_general3A_143 = arith.constant dense<0.000000e+00> : vector<2048x512xf32>
    %dot_general3A_144 = tpu.matmul %add3A, %get3A_142, %dot_general3A_143 {dimension_numbers = #tpu.dot_dimension_numbers<[1], [1], [0], [0], [0, 0, 1, 0], [], []>, transpose_lhs_hint = false} : vector<2048x256xf32>, vector<512x256xf32>, vector<2048x512xf32> -> vector<2048x512xf32>
    %get3A_145 = arith.constant 0 : index
    %get3A_146 = arith.constant 2560 : index
    %get3A_147 = vector.load %arg6[%get3A_145, %get3A_146] : memref<1x8192xf32, #tpu.memory_space<vmem>>, vector<1x512xf32>
    %add3A_148 = vector.broadcast %broadcast_in_dim3A : vector<2048x1xf32> to vector<2048x512xf32>
    %add3A_149 = vector.broadcast %get3A_147 : vector<1x512xf32> to vector<2048x512xf32>
    %add3A_150 = arith.addf %add3A_148, %add3A_149 : vector<2048x512xf32>
    %sub3A_151 = arith.subf %add3A_150, %dot_general3A_144 : vector<2048x512xf32>
    %reduce_min3A_152 = arith.constant dense<0x7F800000> : vector<2048xf32>
    %reduce_min3A_153 = vector.multi_reduction <minimumf>, %sub3A_151, %reduce_min3A_152 [1] : vector<2048x512xf32> to vector<2048xf32>
    %broadcast_in_dim3A_154 = vector.shape_cast %reduce_min3A_153 : vector<2048xf32> to vector<2048x1xf32>
    %eq3A_155 = vector.broadcast %broadcast_in_dim3A_154 : vector<2048x1xf32> to vector<2048x512xf32>
    %eq3A_156 = arith.cmpf oeq, %sub3A_151, %eq3A_155 : vector<2048x512xf32>
    %get3A_157 = arith.constant 0 : index
    %get3A_158 = arith.constant 2560 : index
    %get3A_159 = vector.load %arg7[%get3A_157, %get3A_158] : memref<1x8192xf32, #tpu.memory_space<vmem>>, vector<1x512xf32>
    %jit3A_160 = arith.constant 8.192000e+03 : f32
    %broadcast_in_dim3A_161 = vector.shape_cast %get3A_159 : vector<1x512xf32> to vector<1x512xf32>
    %broadcast_in_dim3A_162 = vector.broadcast %broadcast_in_dim3A_161 : vector<1x512xf32> to vector<2048x512xf32>
    %broadcast_in_dim3A_163 = vector.broadcast %jit3A_160 : f32 to vector<2048x512xf32>
    %select_n3A_164 = arith.select %eq3A_156, %broadcast_in_dim3A_162, %broadcast_in_dim3A_163 : vector<2048x512xi1>, vector<2048x512xf32>
    %reduce_min3A_165 = arith.constant dense<0x7F800000> : vector<2048xf32>
    %reduce_min3A_166 = vector.multi_reduction <minimumf>, %select_n3A_164, %reduce_min3A_165 [1] : vector<2048x512xf32> to vector<2048xf32>
    %broadcast_in_dim3A_167 = vector.shape_cast %reduce_min3A_166 : vector<2048xf32> to vector<2048x1xf32>
    %get3A_168 = arith.constant 3072 : index
    %get3A_169 = arith.constant 0 : index
    %get3A_170 = vector.load %arg5[%get3A_168, %get3A_169] : memref<8192x256xf32, #tpu.memory_space<vmem>>, vector<512x256xf32>
    %dot_general3A_171 = arith.constant dense<0.000000e+00> : vector<2048x512xf32>
    %dot_general3A_172 = tpu.matmul %add3A, %get3A_170, %dot_general3A_171 {dimension_numbers = #tpu.dot_dimension_numbers<[1], [1], [0], [0], [0, 0, 1, 0], [], []>, transpose_lhs_hint = false} : vector<2048x256xf32>, vector<512x256xf32>, vector<2048x512xf32> -> vector<2048x512xf32>
    %get3A_173 = arith.constant 0 : index
    %get3A_174 = arith.constant 3072 : index
    %get3A_175 = vector.load %arg6[%get3A_173, %get3A_174] : memref<1x8192xf32, #tpu.memory_space<vmem>>, vector<1x512xf32>
    %add3A_176 = vector.broadcast %broadcast_in_dim3A : vector<2048x1xf32> to vector<2048x512xf32>
    %add3A_177 = vector.broadcast %get3A_175 : vector<1x512xf32> to vector<2048x512xf32>
    %add3A_178 = arith.addf %add3A_176, %add3A_177 : vector<2048x512xf32>
    %sub3A_179 = arith.subf %add3A_178, %dot_general3A_172 : vector<2048x512xf32>
    %reduce_min3A_180 = arith.constant dense<0x7F800000> : vector<2048xf32>
    %reduce_min3A_181 = vector.multi_reduction <minimumf>, %sub3A_179, %reduce_min3A_180 [1] : vector<2048x512xf32> to vector<2048xf32>
    %broadcast_in_dim3A_182 = vector.shape_cast %reduce_min3A_181 : vector<2048xf32> to vector<2048x1xf32>
    %eq3A_183 = vector.broadcast %broadcast_in_dim3A_182 : vector<2048x1xf32> to vector<2048x512xf32>
    %eq3A_184 = arith.cmpf oeq, %sub3A_179, %eq3A_183 : vector<2048x512xf32>
    %get3A_185 = arith.constant 0 : index
    %get3A_186 = arith.constant 3072 : index
    %get3A_187 = vector.load %arg7[%get3A_185, %get3A_186] : memref<1x8192xf32, #tpu.memory_space<vmem>>, vector<1x512xf32>
    %jit3A_188 = arith.constant 8.192000e+03 : f32
    %broadcast_in_dim3A_189 = vector.shape_cast %get3A_187 : vector<1x512xf32> to vector<1x512xf32>
    %broadcast_in_dim3A_190 = vector.broadcast %broadcast_in_dim3A_189 : vector<1x512xf32> to vector<2048x512xf32>
    %broadcast_in_dim3A_191 = vector.broadcast %jit3A_188 : f32 to vector<2048x512xf32>
    %select_n3A_192 = arith.select %eq3A_184, %broadcast_in_dim3A_190, %broadcast_in_dim3A_191 : vector<2048x512xi1>, vector<2048x512xf32>
    %reduce_min3A_193 = arith.constant dense<0x7F800000> : vector<2048xf32>
    %reduce_min3A_194 = vector.multi_reduction <minimumf>, %select_n3A_192, %reduce_min3A_193 [1] : vector<2048x512xf32> to vector<2048xf32>
    %broadcast_in_dim3A_195 = vector.shape_cast %reduce_min3A_194 : vector<2048xf32> to vector<2048x1xf32>
    %get3A_196 = arith.constant 3584 : index
    %get3A_197 = arith.constant 0 : index
    %get3A_198 = vector.load %arg5[%get3A_196, %get3A_197] : memref<8192x256xf32, #tpu.memory_space<vmem>>, vector<512x256xf32>
    %dot_general3A_199 = arith.constant dense<0.000000e+00> : vector<2048x512xf32>
    %dot_general3A_200 = tpu.matmul %add3A, %get3A_198, %dot_general3A_199 {dimension_numbers = #tpu.dot_dimension_numbers<[1], [1], [0], [0], [0, 0, 1, 0], [], []>, transpose_lhs_hint = false} : vector<2048x256xf32>, vector<512x256xf32>, vector<2048x512xf32> -> vector<2048x512xf32>
    %get3A_201 = arith.constant 0 : index
    %get3A_202 = arith.constant 3584 : index
    %get3A_203 = vector.load %arg6[%get3A_201, %get3A_202] : memref<1x8192xf32, #tpu.memory_space<vmem>>, vector<1x512xf32>
    %add3A_204 = vector.broadcast %broadcast_in_dim3A : vector<2048x1xf32> to vector<2048x512xf32>
    %add3A_205 = vector.broadcast %get3A_203 : vector<1x512xf32> to vector<2048x512xf32>
    %add3A_206 = arith.addf %add3A_204, %add3A_205 : vector<2048x512xf32>
    %sub3A_207 = arith.subf %add3A_206, %dot_general3A_200 : vector<2048x512xf32>
    %reduce_min3A_208 = arith.constant dense<0x7F800000> : vector<2048xf32>
    %reduce_min3A_209 = vector.multi_reduction <minimumf>, %sub3A_207, %reduce_min3A_208 [1] : vector<2048x512xf32> to vector<2048xf32>
    %broadcast_in_dim3A_210 = vector.shape_cast %reduce_min3A_209 : vector<2048xf32> to vector<2048x1xf32>
    %eq3A_211 = vector.broadcast %broadcast_in_dim3A_210 : vector<2048x1xf32> to vector<2048x512xf32>
    %eq3A_212 = arith.cmpf oeq, %sub3A_207, %eq3A_211 : vector<2048x512xf32>
    %get3A_213 = arith.constant 0 : index
    %get3A_214 = arith.constant 3584 : index
    %get3A_215 = vector.load %arg7[%get3A_213, %get3A_214] : memref<1x8192xf32, #tpu.memory_space<vmem>>, vector<1x512xf32>
    %jit3A_216 = arith.constant 8.192000e+03 : f32
    %broadcast_in_dim3A_217 = vector.shape_cast %get3A_215 : vector<1x512xf32> to vector<1x512xf32>
    %broadcast_in_dim3A_218 = vector.broadcast %broadcast_in_dim3A_217 : vector<1x512xf32> to vector<2048x512xf32>
    %broadcast_in_dim3A_219 = vector.broadcast %jit3A_216 : f32 to vector<2048x512xf32>
    %select_n3A_220 = arith.select %eq3A_212, %broadcast_in_dim3A_218, %broadcast_in_dim3A_219 : vector<2048x512xi1>, vector<2048x512xf32>
    %reduce_min3A_221 = arith.constant dense<0x7F800000> : vector<2048xf32>
    %reduce_min3A_222 = vector.multi_reduction <minimumf>, %select_n3A_220, %reduce_min3A_221 [1] : vector<2048x512xf32> to vector<2048xf32>
    %broadcast_in_dim3A_223 = vector.shape_cast %reduce_min3A_222 : vector<2048xf32> to vector<2048x1xf32>
    %get3A_224 = arith.constant 4096 : index
    %get3A_225 = arith.constant 0 : index
    %get3A_226 = vector.load %arg5[%get3A_224, %get3A_225] : memref<8192x256xf32, #tpu.memory_space<vmem>>, vector<512x256xf32>
    %dot_general3A_227 = arith.constant dense<0.000000e+00> : vector<2048x512xf32>
    %dot_general3A_228 = tpu.matmul %add3A, %get3A_226, %dot_general3A_227 {dimension_numbers = #tpu.dot_dimension_numbers<[1], [1], [0], [0], [0, 0, 1, 0], [], []>, transpose_lhs_hint = false} : vector<2048x256xf32>, vector<512x256xf32>, vector<2048x512xf32> -> vector<2048x512xf32>
    %get3A_229 = arith.constant 0 : index
    %get3A_230 = arith.constant 4096 : index
    %get3A_231 = vector.load %arg6[%get3A_229, %get3A_230] : memref<1x8192xf32, #tpu.memory_space<vmem>>, vector<1x512xf32>
    %add3A_232 = vector.broadcast %broadcast_in_dim3A : vector<2048x1xf32> to vector<2048x512xf32>
    %add3A_233 = vector.broadcast %get3A_231 : vector<1x512xf32> to vector<2048x512xf32>
    %add3A_234 = arith.addf %add3A_232, %add3A_233 : vector<2048x512xf32>
    %sub3A_235 = arith.subf %add3A_234, %dot_general3A_228 : vector<2048x512xf32>
    %reduce_min3A_236 = arith.constant dense<0x7F800000> : vector<2048xf32>
    %reduce_min3A_237 = vector.multi_reduction <minimumf>, %sub3A_235, %reduce_min3A_236 [1] : vector<2048x512xf32> to vector<2048xf32>
    %broadcast_in_dim3A_238 = vector.shape_cast %reduce_min3A_237 : vector<2048xf32> to vector<2048x1xf32>
    %eq3A_239 = vector.broadcast %broadcast_in_dim3A_238 : vector<2048x1xf32> to vector<2048x512xf32>
    %eq3A_240 = arith.cmpf oeq, %sub3A_235, %eq3A_239 : vector<2048x512xf32>
    %get3A_241 = arith.constant 0 : index
    %get3A_242 = arith.constant 4096 : index
    %get3A_243 = vector.load %arg7[%get3A_241, %get3A_242] : memref<1x8192xf32, #tpu.memory_space<vmem>>, vector<1x512xf32>
    %jit3A_244 = arith.constant 8.192000e+03 : f32
    %broadcast_in_dim3A_245 = vector.shape_cast %get3A_243 : vector<1x512xf32> to vector<1x512xf32>
    %broadcast_in_dim3A_246 = vector.broadcast %broadcast_in_dim3A_245 : vector<1x512xf32> to vector<2048x512xf32>
    %broadcast_in_dim3A_247 = vector.broadcast %jit3A_244 : f32 to vector<2048x512xf32>
    %select_n3A_248 = arith.select %eq3A_240, %broadcast_in_dim3A_246, %broadcast_in_dim3A_247 : vector<2048x512xi1>, vector<2048x512xf32>
    %reduce_min3A_249 = arith.constant dense<0x7F800000> : vector<2048xf32>
    %reduce_min3A_250 = vector.multi_reduction <minimumf>, %select_n3A_248, %reduce_min3A_249 [1] : vector<2048x512xf32> to vector<2048xf32>
    %broadcast_in_dim3A_251 = vector.shape_cast %reduce_min3A_250 : vector<2048xf32> to vector<2048x1xf32>
    %get3A_252 = arith.constant 4608 : index
    %get3A_253 = arith.constant 0 : index
    %get3A_254 = vector.load %arg5[%get3A_252, %get3A_253] : memref<8192x256xf32, #tpu.memory_space<vmem>>, vector<512x256xf32>
    %dot_general3A_255 = arith.constant dense<0.000000e+00> : vector<2048x512xf32>
    %dot_general3A_256 = tpu.matmul %add3A, %get3A_254, %dot_general3A_255 {dimension_numbers = #tpu.dot_dimension_numbers<[1], [1], [0], [0], [0, 0, 1, 0], [], []>, transpose_lhs_hint = false} : vector<2048x256xf32>, vector<512x256xf32>, vector<2048x512xf32> -> vector<2048x512xf32>
    %get3A_257 = arith.constant 0 : index
    %get3A_258 = arith.constant 4608 : index
    %get3A_259 = vector.load %arg6[%get3A_257, %get3A_258] : memref<1x8192xf32, #tpu.memory_space<vmem>>, vector<1x512xf32>
    %add3A_260 = vector.broadcast %broadcast_in_dim3A : vector<2048x1xf32> to vector<2048x512xf32>
    %add3A_261 = vector.broadcast %get3A_259 : vector<1x512xf32> to vector<2048x512xf32>
    %add3A_262 = arith.addf %add3A_260, %add3A_261 : vector<2048x512xf32>
    %sub3A_263 = arith.subf %add3A_262, %dot_general3A_256 : vector<2048x512xf32>
    %reduce_min3A_264 = arith.constant dense<0x7F800000> : vector<2048xf32>
    %reduce_min3A_265 = vector.multi_reduction <minimumf>, %sub3A_263, %reduce_min3A_264 [1] : vector<2048x512xf32> to vector<2048xf32>
    %broadcast_in_dim3A_266 = vector.shape_cast %reduce_min3A_265 : vector<2048xf32> to vector<2048x1xf32>
    %eq3A_267 = vector.broadcast %broadcast_in_dim3A_266 : vector<2048x1xf32> to vector<2048x512xf32>
    %eq3A_268 = arith.cmpf oeq, %sub3A_263, %eq3A_267 : vector<2048x512xf32>
    %get3A_269 = arith.constant 0 : index
    %get3A_270 = arith.constant 4608 : index
    %get3A_271 = vector.load %arg7[%get3A_269, %get3A_270] : memref<1x8192xf32, #tpu.memory_space<vmem>>, vector<1x512xf32>
    %jit3A_272 = arith.constant 8.192000e+03 : f32
    %broadcast_in_dim3A_273 = vector.shape_cast %get3A_271 : vector<1x512xf32> to vector<1x512xf32>
    %broadcast_in_dim3A_274 = vector.broadcast %broadcast_in_dim3A_273 : vector<1x512xf32> to vector<2048x512xf32>
    %broadcast_in_dim3A_275 = vector.broadcast %jit3A_272 : f32 to vector<2048x512xf32>
    %select_n3A_276 = arith.select %eq3A_268, %broadcast_in_dim3A_274, %broadcast_in_dim3A_275 : vector<2048x512xi1>, vector<2048x512xf32>
    %reduce_min3A_277 = arith.constant dense<0x7F800000> : vector<2048xf32>
    %reduce_min3A_278 = vector.multi_reduction <minimumf>, %select_n3A_276, %reduce_min3A_277 [1] : vector<2048x512xf32> to vector<2048xf32>
    %broadcast_in_dim3A_279 = vector.shape_cast %reduce_min3A_278 : vector<2048xf32> to vector<2048x1xf32>
    %get3A_280 = arith.constant 5120 : index
    %get3A_281 = arith.constant 0 : index
    %get3A_282 = vector.load %arg5[%get3A_280, %get3A_281] : memref<8192x256xf32, #tpu.memory_space<vmem>>, vector<512x256xf32>
    %dot_general3A_283 = arith.constant dense<0.000000e+00> : vector<2048x512xf32>
    %dot_general3A_284 = tpu.matmul %add3A, %get3A_282, %dot_general3A_283 {dimension_numbers = #tpu.dot_dimension_numbers<[1], [1], [0], [0], [0, 0, 1, 0], [], []>, transpose_lhs_hint = false} : vector<2048x256xf32>, vector<512x256xf32>, vector<2048x512xf32> -> vector<2048x512xf32>
    %get3A_285 = arith.constant 0 : index
    %get3A_286 = arith.constant 5120 : index
    %get3A_287 = vector.load %arg6[%get3A_285, %get3A_286] : memref<1x8192xf32, #tpu.memory_space<vmem>>, vector<1x512xf32>
    %add3A_288 = vector.broadcast %broadcast_in_dim3A : vector<2048x1xf32> to vector<2048x512xf32>
    %add3A_289 = vector.broadcast %get3A_287 : vector<1x512xf32> to vector<2048x512xf32>
    %add3A_290 = arith.addf %add3A_288, %add3A_289 : vector<2048x512xf32>
    %sub3A_291 = arith.subf %add3A_290, %dot_general3A_284 : vector<2048x512xf32>
    %reduce_min3A_292 = arith.constant dense<0x7F800000> : vector<2048xf32>
    %reduce_min3A_293 = vector.multi_reduction <minimumf>, %sub3A_291, %reduce_min3A_292 [1] : vector<2048x512xf32> to vector<2048xf32>
    %broadcast_in_dim3A_294 = vector.shape_cast %reduce_min3A_293 : vector<2048xf32> to vector<2048x1xf32>
    %eq3A_295 = vector.broadcast %broadcast_in_dim3A_294 : vector<2048x1xf32> to vector<2048x512xf32>
    %eq3A_296 = arith.cmpf oeq, %sub3A_291, %eq3A_295 : vector<2048x512xf32>
    %get3A_297 = arith.constant 0 : index
    %get3A_298 = arith.constant 5120 : index
    %get3A_299 = vector.load %arg7[%get3A_297, %get3A_298] : memref<1x8192xf32, #tpu.memory_space<vmem>>, vector<1x512xf32>
    %jit3A_300 = arith.constant 8.192000e+03 : f32
    %broadcast_in_dim3A_301 = vector.shape_cast %get3A_299 : vector<1x512xf32> to vector<1x512xf32>
    %broadcast_in_dim3A_302 = vector.broadcast %broadcast_in_dim3A_301 : vector<1x512xf32> to vector<2048x512xf32>
    %broadcast_in_dim3A_303 = vector.broadcast %jit3A_300 : f32 to vector<2048x512xf32>
    %select_n3A_304 = arith.select %eq3A_296, %broadcast_in_dim3A_302, %broadcast_in_dim3A_303 : vector<2048x512xi1>, vector<2048x512xf32>
    %reduce_min3A_305 = arith.constant dense<0x7F800000> : vector<2048xf32>
    %reduce_min3A_306 = vector.multi_reduction <minimumf>, %select_n3A_304, %reduce_min3A_305 [1] : vector<2048x512xf32> to vector<2048xf32>
    %broadcast_in_dim3A_307 = vector.shape_cast %reduce_min3A_306 : vector<2048xf32> to vector<2048x1xf32>
    %get3A_308 = arith.constant 5632 : index
    %get3A_309 = arith.constant 0 : index
    %get3A_310 = vector.load %arg5[%get3A_308, %get3A_309] : memref<8192x256xf32, #tpu.memory_space<vmem>>, vector<512x256xf32>
    %dot_general3A_311 = arith.constant dense<0.000000e+00> : vector<2048x512xf32>
    %dot_general3A_312 = tpu.matmul %add3A, %get3A_310, %dot_general3A_311 {dimension_numbers = #tpu.dot_dimension_numbers<[1], [1], [0], [0], [0, 0, 1, 0], [], []>, transpose_lhs_hint = false} : vector<2048x256xf32>, vector<512x256xf32>, vector<2048x512xf32> -> vector<2048x512xf32>
    %get3A_313 = arith.constant 0 : index
    %get3A_314 = arith.constant 5632 : index
    %get3A_315 = vector.load %arg6[%get3A_313, %get3A_314] : memref<1x8192xf32, #tpu.memory_space<vmem>>, vector<1x512xf32>
    %add3A_316 = vector.broadcast %broadcast_in_dim3A : vector<2048x1xf32> to vector<2048x512xf32>
    %add3A_317 = vector.broadcast %get3A_315 : vector<1x512xf32> to vector<2048x512xf32>
    %add3A_318 = arith.addf %add3A_316, %add3A_317 : vector<2048x512xf32>
    %sub3A_319 = arith.subf %add3A_318, %dot_general3A_312 : vector<2048x512xf32>
    %reduce_min3A_320 = arith.constant dense<0x7F800000> : vector<2048xf32>
    %reduce_min3A_321 = vector.multi_reduction <minimumf>, %sub3A_319, %reduce_min3A_320 [1] : vector<2048x512xf32> to vector<2048xf32>
    %broadcast_in_dim3A_322 = vector.shape_cast %reduce_min3A_321 : vector<2048xf32> to vector<2048x1xf32>
    %eq3A_323 = vector.broadcast %broadcast_in_dim3A_322 : vector<2048x1xf32> to vector<2048x512xf32>
    %eq3A_324 = arith.cmpf oeq, %sub3A_319, %eq3A_323 : vector<2048x512xf32>
    %get3A_325 = arith.constant 0 : index
    %get3A_326 = arith.constant 5632 : index
    %get3A_327 = vector.load %arg7[%get3A_325, %get3A_326] : memref<1x8192xf32, #tpu.memory_space<vmem>>, vector<1x512xf32>
    %jit3A_328 = arith.constant 8.192000e+03 : f32
    %broadcast_in_dim3A_329 = vector.shape_cast %get3A_327 : vector<1x512xf32> to vector<1x512xf32>
    %broadcast_in_dim3A_330 = vector.broadcast %broadcast_in_dim3A_329 : vector<1x512xf32> to vector<2048x512xf32>
    %broadcast_in_dim3A_331 = vector.broadcast %jit3A_328 : f32 to vector<2048x512xf32>
    %select_n3A_332 = arith.select %eq3A_324, %broadcast_in_dim3A_330, %broadcast_in_dim3A_331 : vector<2048x512xi1>, vector<2048x512xf32>
    %reduce_min3A_333 = arith.constant dense<0x7F800000> : vector<2048xf32>
    %reduce_min3A_334 = vector.multi_reduction <minimumf>, %select_n3A_332, %reduce_min3A_333 [1] : vector<2048x512xf32> to vector<2048xf32>
    %broadcast_in_dim3A_335 = vector.shape_cast %reduce_min3A_334 : vector<2048xf32> to vector<2048x1xf32>
    %get3A_336 = arith.constant 6144 : index
    %get3A_337 = arith.constant 0 : index
    %get3A_338 = vector.load %arg5[%get3A_336, %get3A_337] : memref<8192x256xf32, #tpu.memory_space<vmem>>, vector<512x256xf32>
    %dot_general3A_339 = arith.constant dense<0.000000e+00> : vector<2048x512xf32>
    %dot_general3A_340 = tpu.matmul %add3A, %get3A_338, %dot_general3A_339 {dimension_numbers = #tpu.dot_dimension_numbers<[1], [1], [0], [0], [0, 0, 1, 0], [], []>, transpose_lhs_hint = false} : vector<2048x256xf32>, vector<512x256xf32>, vector<2048x512xf32> -> vector<2048x512xf32>
    %get3A_341 = arith.constant 0 : index
    %get3A_342 = arith.constant 6144 : index
    %get3A_343 = vector.load %arg6[%get3A_341, %get3A_342] : memref<1x8192xf32, #tpu.memory_space<vmem>>, vector<1x512xf32>
    %add3A_344 = vector.broadcast %broadcast_in_dim3A : vector<2048x1xf32> to vector<2048x512xf32>
    %add3A_345 = vector.broadcast %get3A_343 : vector<1x512xf32> to vector<2048x512xf32>
    %add3A_346 = arith.addf %add3A_344, %add3A_345 : vector<2048x512xf32>
    %sub3A_347 = arith.subf %add3A_346, %dot_general3A_340 : vector<2048x512xf32>
    %reduce_min3A_348 = arith.constant dense<0x7F800000> : vector<2048xf32>
    %reduce_min3A_349 = vector.multi_reduction <minimumf>, %sub3A_347, %reduce_min3A_348 [1] : vector<2048x512xf32> to vector<2048xf32>
    %broadcast_in_dim3A_350 = vector.shape_cast %reduce_min3A_349 : vector<2048xf32> to vector<2048x1xf32>
    %eq3A_351 = vector.broadcast %broadcast_in_dim3A_350 : vector<2048x1xf32> to vector<2048x512xf32>
    %eq3A_352 = arith.cmpf oeq, %sub3A_347, %eq3A_351 : vector<2048x512xf32>
    %get3A_353 = arith.constant 0 : index
    %get3A_354 = arith.constant 6144 : index
    %get3A_355 = vector.load %arg7[%get3A_353, %get3A_354] : memref<1x8192xf32, #tpu.memory_space<vmem>>, vector<1x512xf32>
    %jit3A_356 = arith.constant 8.192000e+03 : f32
    %broadcast_in_dim3A_357 = vector.shape_cast %get3A_355 : vector<1x512xf32> to vector<1x512xf32>
    %broadcast_in_dim3A_358 = vector.broadcast %broadcast_in_dim3A_357 : vector<1x512xf32> to vector<2048x512xf32>
    %broadcast_in_dim3A_359 = vector.broadcast %jit3A_356 : f32 to vector<2048x512xf32>
    %select_n3A_360 = arith.select %eq3A_352, %broadcast_in_dim3A_358, %broadcast_in_dim3A_359 : vector<2048x512xi1>, vector<2048x512xf32>
    %reduce_min3A_361 = arith.constant dense<0x7F800000> : vector<2048xf32>
    %reduce_min3A_362 = vector.multi_reduction <minimumf>, %select_n3A_360, %reduce_min3A_361 [1] : vector<2048x512xf32> to vector<2048xf32>
    %broadcast_in_dim3A_363 = vector.shape_cast %reduce_min3A_362 : vector<2048xf32> to vector<2048x1xf32>
    %get3A_364 = arith.constant 6656 : index
    %get3A_365 = arith.constant 0 : index
    %get3A_366 = vector.load %arg5[%get3A_364, %get3A_365] : memref<8192x256xf32, #tpu.memory_space<vmem>>, vector<512x256xf32>
    %dot_general3A_367 = arith.constant dense<0.000000e+00> : vector<2048x512xf32>
    %dot_general3A_368 = tpu.matmul %add3A, %get3A_366, %dot_general3A_367 {dimension_numbers = #tpu.dot_dimension_numbers<[1], [1], [0], [0], [0, 0, 1, 0], [], []>, transpose_lhs_hint = false} : vector<2048x256xf32>, vector<512x256xf32>, vector<2048x512xf32> -> vector<2048x512xf32>
    %get3A_369 = arith.constant 0 : index
    %get3A_370 = arith.constant 6656 : index
    %get3A_371 = vector.load %arg6[%get3A_369, %get3A_370] : memref<1x8192xf32, #tpu.memory_space<vmem>>, vector<1x512xf32>
    %add3A_372 = vector.broadcast %broadcast_in_dim3A : vector<2048x1xf32> to vector<2048x512xf32>
    %add3A_373 = vector.broadcast %get3A_371 : vector<1x512xf32> to vector<2048x512xf32>
    %add3A_374 = arith.addf %add3A_372, %add3A_373 : vector<2048x512xf32>
    %sub3A_375 = arith.subf %add3A_374, %dot_general3A_368 : vector<2048x512xf32>
    %reduce_min3A_376 = arith.constant dense<0x7F800000> : vector<2048xf32>
    %reduce_min3A_377 = vector.multi_reduction <minimumf>, %sub3A_375, %reduce_min3A_376 [1] : vector<2048x512xf32> to vector<2048xf32>
    %broadcast_in_dim3A_378 = vector.shape_cast %reduce_min3A_377 : vector<2048xf32> to vector<2048x1xf32>
    %eq3A_379 = vector.broadcast %broadcast_in_dim3A_378 : vector<2048x1xf32> to vector<2048x512xf32>
    %eq3A_380 = arith.cmpf oeq, %sub3A_375, %eq3A_379 : vector<2048x512xf32>
    %get3A_381 = arith.constant 0 : index
    %get3A_382 = arith.constant 6656 : index
    %get3A_383 = vector.load %arg7[%get3A_381, %get3A_382] : memref<1x8192xf32, #tpu.memory_space<vmem>>, vector<1x512xf32>
    %jit3A_384 = arith.constant 8.192000e+03 : f32
    %broadcast_in_dim3A_385 = vector.shape_cast %get3A_383 : vector<1x512xf32> to vector<1x512xf32>
    %broadcast_in_dim3A_386 = vector.broadcast %broadcast_in_dim3A_385 : vector<1x512xf32> to vector<2048x512xf32>
    %broadcast_in_dim3A_387 = vector.broadcast %jit3A_384 : f32 to vector<2048x512xf32>
    %select_n3A_388 = arith.select %eq3A_380, %broadcast_in_dim3A_386, %broadcast_in_dim3A_387 : vector<2048x512xi1>, vector<2048x512xf32>
    %reduce_min3A_389 = arith.constant dense<0x7F800000> : vector<2048xf32>
    %reduce_min3A_390 = vector.multi_reduction <minimumf>, %select_n3A_388, %reduce_min3A_389 [1] : vector<2048x512xf32> to vector<2048xf32>
    %broadcast_in_dim3A_391 = vector.shape_cast %reduce_min3A_390 : vector<2048xf32> to vector<2048x1xf32>
    %get3A_392 = arith.constant 7168 : index
    %get3A_393 = arith.constant 0 : index
    %get3A_394 = vector.load %arg5[%get3A_392, %get3A_393] : memref<8192x256xf32, #tpu.memory_space<vmem>>, vector<512x256xf32>
    %dot_general3A_395 = arith.constant dense<0.000000e+00> : vector<2048x512xf32>
    %dot_general3A_396 = tpu.matmul %add3A, %get3A_394, %dot_general3A_395 {dimension_numbers = #tpu.dot_dimension_numbers<[1], [1], [0], [0], [0, 0, 1, 0], [], []>, transpose_lhs_hint = false} : vector<2048x256xf32>, vector<512x256xf32>, vector<2048x512xf32> -> vector<2048x512xf32>
    %get3A_397 = arith.constant 0 : index
    %get3A_398 = arith.constant 7168 : index
    %get3A_399 = vector.load %arg6[%get3A_397, %get3A_398] : memref<1x8192xf32, #tpu.memory_space<vmem>>, vector<1x512xf32>
    %add3A_400 = vector.broadcast %broadcast_in_dim3A : vector<2048x1xf32> to vector<2048x512xf32>
    %add3A_401 = vector.broadcast %get3A_399 : vector<1x512xf32> to vector<2048x512xf32>
    %add3A_402 = arith.addf %add3A_400, %add3A_401 : vector<2048x512xf32>
    %sub3A_403 = arith.subf %add3A_402, %dot_general3A_396 : vector<2048x512xf32>
    %reduce_min3A_404 = arith.constant dense<0x7F800000> : vector<2048xf32>
    %reduce_min3A_405 = vector.multi_reduction <minimumf>, %sub3A_403, %reduce_min3A_404 [1] : vector<2048x512xf32> to vector<2048xf32>
    %broadcast_in_dim3A_406 = vector.shape_cast %reduce_min3A_405 : vector<2048xf32> to vector<2048x1xf32>
    %eq3A_407 = vector.broadcast %broadcast_in_dim3A_406 : vector<2048x1xf32> to vector<2048x512xf32>
    %eq3A_408 = arith.cmpf oeq, %sub3A_403, %eq3A_407 : vector<2048x512xf32>
    %get3A_409 = arith.constant 0 : index
    %get3A_410 = arith.constant 7168 : index
    %get3A_411 = vector.load %arg7[%get3A_409, %get3A_410] : memref<1x8192xf32, #tpu.memory_space<vmem>>, vector<1x512xf32>
    %jit3A_412 = arith.constant 8.192000e+03 : f32
    %broadcast_in_dim3A_413 = vector.shape_cast %get3A_411 : vector<1x512xf32> to vector<1x512xf32>
    %broadcast_in_dim3A_414 = vector.broadcast %broadcast_in_dim3A_413 : vector<1x512xf32> to vector<2048x512xf32>
    %broadcast_in_dim3A_415 = vector.broadcast %jit3A_412 : f32 to vector<2048x512xf32>
    %select_n3A_416 = arith.select %eq3A_408, %broadcast_in_dim3A_414, %broadcast_in_dim3A_415 : vector<2048x512xi1>, vector<2048x512xf32>
    %reduce_min3A_417 = arith.constant dense<0x7F800000> : vector<2048xf32>
    %reduce_min3A_418 = vector.multi_reduction <minimumf>, %select_n3A_416, %reduce_min3A_417 [1] : vector<2048x512xf32> to vector<2048xf32>
    %broadcast_in_dim3A_419 = vector.shape_cast %reduce_min3A_418 : vector<2048xf32> to vector<2048x1xf32>
    %get3A_420 = arith.constant 7680 : index
    %get3A_421 = arith.constant 0 : index
    %get3A_422 = vector.load %arg5[%get3A_420, %get3A_421] : memref<8192x256xf32, #tpu.memory_space<vmem>>, vector<512x256xf32>
    %dot_general3A_423 = arith.constant dense<0.000000e+00> : vector<2048x512xf32>
    %dot_general3A_424 = tpu.matmul %add3A, %get3A_422, %dot_general3A_423 {dimension_numbers = #tpu.dot_dimension_numbers<[1], [1], [0], [0], [0, 0, 1, 0], [], []>, transpose_lhs_hint = false} : vector<2048x256xf32>, vector<512x256xf32>, vector<2048x512xf32> -> vector<2048x512xf32>
    %get3A_425 = arith.constant 0 : index
    %get3A_426 = arith.constant 7680 : index
    %get3A_427 = vector.load %arg6[%get3A_425, %get3A_426] : memref<1x8192xf32, #tpu.memory_space<vmem>>, vector<1x512xf32>
    %add3A_428 = vector.broadcast %broadcast_in_dim3A : vector<2048x1xf32> to vector<2048x512xf32>
    %add3A_429 = vector.broadcast %get3A_427 : vector<1x512xf32> to vector<2048x512xf32>
    %add3A_430 = arith.addf %add3A_428, %add3A_429 : vector<2048x512xf32>
    %sub3A_431 = arith.subf %add3A_430, %dot_general3A_424 : vector<2048x512xf32>
    %reduce_min3A_432 = arith.constant dense<0x7F800000> : vector<2048xf32>
    %reduce_min3A_433 = vector.multi_reduction <minimumf>, %sub3A_431, %reduce_min3A_432 [1] : vector<2048x512xf32> to vector<2048xf32>
    %broadcast_in_dim3A_434 = vector.shape_cast %reduce_min3A_433 : vector<2048xf32> to vector<2048x1xf32>
    %eq3A_435 = vector.broadcast %broadcast_in_dim3A_434 : vector<2048x1xf32> to vector<2048x512xf32>
    %eq3A_436 = arith.cmpf oeq, %sub3A_431, %eq3A_435 : vector<2048x512xf32>
    %get3A_437 = arith.constant 0 : index
    %get3A_438 = arith.constant 7680 : index
    %get3A_439 = vector.load %arg7[%get3A_437, %get3A_438] : memref<1x8192xf32, #tpu.memory_space<vmem>>, vector<1x512xf32>
    %jit3A_440 = arith.constant 8.192000e+03 : f32
    %broadcast_in_dim3A_441 = vector.shape_cast %get3A_439 : vector<1x512xf32> to vector<1x512xf32>
    %broadcast_in_dim3A_442 = vector.broadcast %broadcast_in_dim3A_441 : vector<1x512xf32> to vector<2048x512xf32>
    %broadcast_in_dim3A_443 = vector.broadcast %jit3A_440 : f32 to vector<2048x512xf32>
    %select_n3A_444 = arith.select %eq3A_436, %broadcast_in_dim3A_442, %broadcast_in_dim3A_443 : vector<2048x512xi1>, vector<2048x512xf32>
    %reduce_min3A_445 = arith.constant dense<0x7F800000> : vector<2048xf32>
    %reduce_min3A_446 = vector.multi_reduction <minimumf>, %select_n3A_444, %reduce_min3A_445 [1] : vector<2048x512xf32> to vector<2048xf32>
    %broadcast_in_dim3A_447 = vector.shape_cast %reduce_min3A_446 : vector<2048xf32> to vector<2048x1xf32>
    %min3A = arith.minimumf %broadcast_in_dim3A_16, %broadcast_in_dim3A_42 : vector<2048x1xf32>
    %le3A = arith.cmpf ole, %broadcast_in_dim3A_16, %broadcast_in_dim3A_42 : vector<2048x1xf32>
    %select_n3A_448 = arith.select %le3A, %broadcast_in_dim3A_27, %broadcast_in_dim3A_55 : vector<2048x1xi1>, vector<2048x1xf32>
    %min3A_449 = arith.minimumf %broadcast_in_dim3A_70, %broadcast_in_dim3A_98 : vector<2048x1xf32>
    %le3A_450 = arith.cmpf ole, %broadcast_in_dim3A_70, %broadcast_in_dim3A_98 : vector<2048x1xf32>
    %select_n3A_451 = arith.select %le3A_450, %broadcast_in_dim3A_83, %broadcast_in_dim3A_111 : vector<2048x1xi1>, vector<2048x1xf32>
    %min3A_452 = arith.minimumf %broadcast_in_dim3A_126, %broadcast_in_dim3A_154 : vector<2048x1xf32>
    %le3A_453 = arith.cmpf ole, %broadcast_in_dim3A_126, %broadcast_in_dim3A_154 : vector<2048x1xf32>
    %select_n3A_454 = arith.select %le3A_453, %broadcast_in_dim3A_139, %broadcast_in_dim3A_167 : vector<2048x1xi1>, vector<2048x1xf32>
    %min3A_455 = arith.minimumf %broadcast_in_dim3A_182, %broadcast_in_dim3A_210 : vector<2048x1xf32>
    %le3A_456 = arith.cmpf ole, %broadcast_in_dim3A_182, %broadcast_in_dim3A_210 : vector<2048x1xf32>
    %select_n3A_457 = arith.select %le3A_456, %broadcast_in_dim3A_195, %broadcast_in_dim3A_223 : vector<2048x1xi1>, vector<2048x1xf32>
    %min3A_458 = arith.minimumf %broadcast_in_dim3A_238, %broadcast_in_dim3A_266 : vector<2048x1xf32>
    %le3A_459 = arith.cmpf ole, %broadcast_in_dim3A_238, %broadcast_in_dim3A_266 : vector<2048x1xf32>
    %select_n3A_460 = arith.select %le3A_459, %broadcast_in_dim3A_251, %broadcast_in_dim3A_279 : vector<2048x1xi1>, vector<2048x1xf32>
    %min3A_461 = arith.minimumf %broadcast_in_dim3A_294, %broadcast_in_dim3A_322 : vector<2048x1xf32>
    %le3A_462 = arith.cmpf ole, %broadcast_in_dim3A_294, %broadcast_in_dim3A_322 : vector<2048x1xf32>
    %select_n3A_463 = arith.select %le3A_462, %broadcast_in_dim3A_307, %broadcast_in_dim3A_335 : vector<2048x1xi1>, vector<2048x1xf32>
    %min3A_464 = arith.minimumf %broadcast_in_dim3A_350, %broadcast_in_dim3A_378 : vector<2048x1xf32>
    %le3A_465 = arith.cmpf ole, %broadcast_in_dim3A_350, %broadcast_in_dim3A_378 : vector<2048x1xf32>
    %select_n3A_466 = arith.select %le3A_465, %broadcast_in_dim3A_363, %broadcast_in_dim3A_391 : vector<2048x1xi1>, vector<2048x1xf32>
    %min3A_467 = arith.minimumf %broadcast_in_dim3A_406, %broadcast_in_dim3A_434 : vector<2048x1xf32>
    %le3A_468 = arith.cmpf ole, %broadcast_in_dim3A_406, %broadcast_in_dim3A_434 : vector<2048x1xf32>
    %select_n3A_469 = arith.select %le3A_468, %broadcast_in_dim3A_419, %broadcast_in_dim3A_447 : vector<2048x1xi1>, vector<2048x1xf32>
    %min3A_470 = arith.minimumf %min3A, %min3A_449 : vector<2048x1xf32>
    %le3A_471 = arith.cmpf ole, %min3A, %min3A_449 : vector<2048x1xf32>
    %select_n3A_472 = arith.select %le3A_471, %select_n3A_448, %select_n3A_451 : vector<2048x1xi1>, vector<2048x1xf32>
    %min3A_473 = arith.minimumf %min3A_452, %min3A_455 : vector<2048x1xf32>
    %le3A_474 = arith.cmpf ole, %min3A_452, %min3A_455 : vector<2048x1xf32>
    %select_n3A_475 = arith.select %le3A_474, %select_n3A_454, %select_n3A_457 : vector<2048x1xi1>, vector<2048x1xf32>
    %min3A_476 = arith.minimumf %min3A_458, %min3A_461 : vector<2048x1xf32>
    %le3A_477 = arith.cmpf ole, %min3A_458, %min3A_461 : vector<2048x1xf32>
    %select_n3A_478 = arith.select %le3A_477, %select_n3A_460, %select_n3A_463 : vector<2048x1xi1>, vector<2048x1xf32>
    %min3A_479 = arith.minimumf %min3A_464, %min3A_467 : vector<2048x1xf32>
    %le3A_480 = arith.cmpf ole, %min3A_464, %min3A_467 : vector<2048x1xf32>
    %select_n3A_481 = arith.select %le3A_480, %select_n3A_466, %select_n3A_469 : vector<2048x1xi1>, vector<2048x1xf32>
    %min3A_482 = arith.minimumf %min3A_470, %min3A_473 : vector<2048x1xf32>
    %le3A_483 = arith.cmpf ole, %min3A_470, %min3A_473 : vector<2048x1xf32>
    %select_n3A_484 = arith.select %le3A_483, %select_n3A_472, %select_n3A_475 : vector<2048x1xi1>, vector<2048x1xf32>
    %min3A_485 = arith.minimumf %min3A_476, %min3A_479 : vector<2048x1xf32>
    %le3A_486 = arith.cmpf ole, %min3A_476, %min3A_479 : vector<2048x1xf32>
    %select_n3A_487 = arith.select %le3A_486, %select_n3A_478, %select_n3A_481 : vector<2048x1xi1>, vector<2048x1xf32>
    %le3A_488 = arith.cmpf ole, %min3A_482, %min3A_485 : vector<2048x1xf32>
    %select_n3A_489 = arith.select %le3A_488, %select_n3A_484, %select_n3A_487 : vector<2048x1xi1>, vector<2048x1xf32>
    %squeeze3A = vector.shape_cast %select_n3A_489 : vector<2048x1xf32> to vector<2048xf32>
    %convert_element_type3A_490 = arith.fptosi %squeeze3A : vector<2048xf32> to vector<2048xi32>
    %mul3A_491 = arith.constant 2048 : i32
    %mul3A_492 = arith.muli %arg0, %mul3A_491 : i32
    %swap3A = arith.constant 0 : index
    %swap3A_493 = arith.index_cast %mul3A_492 : i32 to index
    %swap3A_494 = vector.load %arg4[%swap3A, %swap3A_493] : memref<1x8192xi32, #tpu.memory_space<vmem>>, vector<1x2048xi32>
    %swap3A_495 = vector.shape_cast %swap3A_494 : vector<1x2048xi32> to vector<2048xi32>
    %swap3A_496 = vector.shape_cast %convert_element_type3A_490 : vector<2048xi32> to vector<1x2048xi32>
    tpu.vector_store %arg4[%swap3A, %swap3A_493], %swap3A_496 {strides = array<i32>} : memref<1x8192xi32, #tpu.memory_space<vmem>>, vector<1x2048xi32>,
    return
  }
  func.func @transform_0(%arg0: i32) -> (i32, i32) {
    %c0_i32 = arith.constant 0 : i32
    %c0_i32_0 = arith.constant 0 : i32
    return %arg0, %c0_i32 : i32, i32
  }
  func.func @transform_1(%arg0: i32) -> (i32, i32) {
    %c0_i32 = arith.constant 0 : i32
    %c0_i32_0 = arith.constant 0 : i32
    %c0_i32_1 = arith.constant 0 : i32
    return %c0_i32, %c0_i32_0 : i32, i32
  }
  func.func @transform_2(%arg0: i32) -> (i32, i32) {
    %c0_i32 = arith.constant 0 : i32
    %c0_i32_0 = arith.constant 0 : i32
    %c0_i32_1 = arith.constant 0 : i32
    return %c0_i32, %c0_i32_0 : i32, i32
  }
  func.func @transform_3(%arg0: i32) -> (i32, i32) {
    %c0_i32 = arith.constant 0 : i32
    %c0_i32_0 = arith.constant 0 : i32
    %c0_i32_1 = arith.constant 0 : i32
    return %c0_i32, %c0_i32_0 : i32, i32
  }
  func.func @transform_4(%arg0: i32) -> (i32, i32) {
    %c0_i32 = arith.constant 0 : i32
    %c0_i32_0 = arith.constant 0 : i32
    %c0_i32_1 = arith.constant 0 : i32
    return %c0_i32, %c0_i32_0 : i32, i32
  }
}

module attributes {stable_mosaic.version = 14 : i64} {
  func.func @_rotate_body(%arg0: i32, %arg1: memref<2048x256xf32, #tpu.memory_space<vmem>>, %arg2: memref<2048x256xf32, #tpu.memory_space<vmem>>, %arg3: memref<2048x256xf32, #tpu.memory_space<vmem>>, %arg4: memref<1x1xf32, #tpu.memory_space<vmem>>) attributes {dimension_semantics = [#tpu.dimension_semantics<arbitrary>], iteration_bounds = array<i64: 4>, scalar_prefetch = 0 : i64, scratch_operands = 0 : i64, tpu.core_type = #tpu.core_type<tc>, window_params = [{transform_indices = @transform_0, window_bounds = array<i64: 2048, 256>}, {transform_indices = @transform_1, window_bounds = array<i64: 2048, 256>}, {transform_indices = @transform_2, window_bounds = array<i64: 2048, 256>}, {pipeline_mode = #tpu.pipeline_mode<synchronous>, transform_indices = @transform_3, window_bounds = array<i64: 1, 1>}]} {
    %get3A = arith.constant 0 : index
    %get3A_0 = arith.constant 0 : index
    %get3A_1 = vector.load %arg1[%get3A, %get3A_0] : memref<2048x256xf32, #tpu.memory_space<vmem>>, vector<2048x256xf32>
    %get3A_2 = arith.constant 0 : index
    %get3A_3 = arith.constant 0 : index
    %get3A_4 = vector.load %arg2[%get3A_2, %get3A_3] : memref<2048x256xf32, #tpu.memory_space<vmem>>, vector<2048x256xf32>
    %mul3A = arith.mulf %get3A_1, %get3A_1 : vector<2048x256xf32>
    %reduce_sum3A = arith.constant dense<0.000000e+00> : vector<2048xf32>
    %reduce_sum3A_5 = vector.multi_reduction <add>, %mul3A, %reduce_sum3A [1] : vector<2048x256xf32> to vector<2048xf32>
    %broadcast_in_dim3A = vector.shape_cast %reduce_sum3A_5 : vector<2048xf32> to vector<2048x1xf32>
    %sqrt3A = math.sqrt %broadcast_in_dim3A : vector<2048x1xf32>
    %mul3A_6 = arith.mulf %get3A_4, %get3A_4 : vector<2048x256xf32>
    %reduce_sum3A_7 = arith.constant dense<0.000000e+00> : vector<2048xf32>
    %reduce_sum3A_8 = vector.multi_reduction <add>, %mul3A_6, %reduce_sum3A_7 [1] : vector<2048x256xf32> to vector<2048xf32>
    %broadcast_in_dim3A_9 = vector.shape_cast %reduce_sum3A_8 : vector<2048xf32> to vector<2048x1xf32>
    %sqrt3A_10 = math.sqrt %broadcast_in_dim3A_9 : vector<2048x1xf32>
    %jit3A = arith.constant 9.99999997E-7 : f32
    %max3A = vector.broadcast %jit3A : f32 to vector<2048x1xf32>
    %max3A_11 = arith.maximumf %max3A, %sqrt3A : vector<2048x1xf32>
    %div3A = vector.broadcast %max3A_11 : vector<2048x1xf32> to vector<2048x256xf32>
    %div3A_12 = arith.divf %get3A_1, %div3A : vector<2048x256xf32>
    %jit3A_13 = arith.constant 9.99999997E-7 : f32
    %max3A_14 = vector.broadcast %jit3A_13 : f32 to vector<2048x1xf32>
    %max3A_15 = arith.maximumf %max3A_14, %sqrt3A_10 : vector<2048x1xf32>
    %div3A_16 = vector.broadcast %max3A_15 : vector<2048x1xf32> to vector<2048x256xf32>
    %div3A_17 = arith.divf %get3A_4, %div3A_16 : vector<2048x256xf32>
    %add3A = arith.addf %div3A_12, %div3A_17 : vector<2048x256xf32>
    %mul3A_18 = arith.mulf %add3A, %add3A : vector<2048x256xf32>
    %reduce_sum3A_19 = arith.constant dense<0.000000e+00> : vector<2048xf32>
    %reduce_sum3A_20 = vector.multi_reduction <add>, %mul3A_18, %reduce_sum3A_19 [1] : vector<2048x256xf32> to vector<2048xf32>
    %broadcast_in_dim3A_21 = vector.shape_cast %reduce_sum3A_20 : vector<2048xf32> to vector<2048x1xf32>
    %sqrt3A_22 = math.sqrt %broadcast_in_dim3A_21 : vector<2048x1xf32>
    %jit3A_23 = arith.constant 9.99999997E-7 : f32
    %max3A_24 = vector.broadcast %jit3A_23 : f32 to vector<2048x1xf32>
    %max3A_25 = arith.maximumf %max3A_24, %sqrt3A_22 : vector<2048x1xf32>
    %div3A_26 = vector.broadcast %max3A_25 : vector<2048x1xf32> to vector<2048x256xf32>
    %div3A_27 = arith.divf %add3A, %div3A_26 : vector<2048x256xf32>
    %mul3A_28 = arith.mulf %get3A_1, %div3A_27 : vector<2048x256xf32>
    %reduce_sum3A_29 = arith.constant dense<0.000000e+00> : vector<2048xf32>
    %reduce_sum3A_30 = vector.multi_reduction <add>, %mul3A_28, %reduce_sum3A_29 [1] : vector<2048x256xf32> to vector<2048xf32>
    %broadcast_in_dim3A_31 = vector.shape_cast %reduce_sum3A_30 : vector<2048xf32> to vector<2048x1xf32>
    %mul3A_32 = arith.mulf %get3A_1, %div3A_12 : vector<2048x256xf32>
    %reduce_sum3A_33 = arith.constant dense<0.000000e+00> : vector<2048xf32>
    %reduce_sum3A_34 = vector.multi_reduction <add>, %mul3A_32, %reduce_sum3A_33 [1] : vector<2048x256xf32> to vector<2048xf32>
    %broadcast_in_dim3A_35 = vector.shape_cast %reduce_sum3A_34 : vector<2048xf32> to vector<2048x1xf32>
    %mul3A_36 = arith.constant 2.000000e+00 : f32
    %mul3A_37 = vector.broadcast %mul3A_36 : f32 to vector<2048x1xf32>
    %mul3A_38 = arith.mulf %mul3A_37, %broadcast_in_dim3A_31 : vector<2048x1xf32>
    %mul3A_39 = vector.broadcast %mul3A_38 : vector<2048x1xf32> to vector<2048x256xf32>
    %mul3A_40 = arith.mulf %mul3A_39, %div3A_27 : vector<2048x256xf32>
    %sub3A = arith.subf %get3A_1, %mul3A_40 : vector<2048x256xf32>
    %mul3A_41 = arith.constant 2.000000e+00 : f32
    %mul3A_42 = vector.broadcast %mul3A_41 : f32 to vector<2048x1xf32>
    %mul3A_43 = arith.mulf %mul3A_42, %broadcast_in_dim3A_35 : vector<2048x1xf32>
    %mul3A_44 = vector.broadcast %mul3A_43 : vector<2048x1xf32> to vector<2048x256xf32>
    %mul3A_45 = arith.mulf %mul3A_44, %div3A_17 : vector<2048x256xf32>
    %add3A_46 = arith.addf %sub3A, %mul3A_45 : vector<2048x256xf32>
    %jit3A_47 = arith.constant 9.99999997E-7 : f32
    %max3A_48 = vector.broadcast %jit3A_47 : f32 to vector<2048x1xf32>
    %max3A_49 = arith.maximumf %max3A_48, %sqrt3A : vector<2048x1xf32>
    %div3A_50 = arith.divf %sqrt3A_10, %max3A_49 : vector<2048x1xf32>
    %mul3A_51 = vector.broadcast %div3A_50 : vector<2048x1xf32> to vector<2048x256xf32>
    %mul3A_52 = arith.mulf %add3A_46, %mul3A_51 : vector<2048x256xf32>
    %swap3A = arith.constant 0 : index
    %swap3A_53 = arith.constant 0 : index
    %swap3A_54 = vector.load %arg3[%swap3A, %swap3A_53] : memref<2048x256xf32, #tpu.memory_space<vmem>>, vector<2048x256xf32>
    tpu.vector_store %arg3[%swap3A, %swap3A_53], %mul3A_52 {strides = array<i32>} : memref<2048x256xf32, #tpu.memory_space<vmem>>, vector<2048x256xf32>,
    %sub3A_55 = arith.subf %get3A_1, %get3A_4 : vector<2048x256xf32>
    %mul3A_56 = arith.mulf %sub3A_55, %sub3A_55 : vector<2048x256xf32>
    %reduce_sum3A_57 = vector.shape_cast %mul3A_56 : vector<2048x256xf32> to vector<1x2048x256xf32>
    %reduce_sum3A_58 = arith.constant dense<0.000000e+00> : vector<1xf32>
    %reduce_sum3A_59 = vector.multi_reduction <add>, %reduce_sum3A_57, %reduce_sum3A_58 [1, 2] : vector<1x2048x256xf32> to vector<1xf32>
    %reduce_sum3A_60 = vector.shape_cast %reduce_sum3A_59 : vector<1xf32> to vector<1x1x1xf32>
    %reduce_sum3A_61 = vector.extract %reduce_sum3A_60[0, 0, 0] : f32 from vector<1x1x1xf32>
    %reshape3A = vector.broadcast %reduce_sum3A_61 : f32 to vector<1x1xf32>
    %eq3A = arith.constant 0 : i32
    %eq3A_62 = arith.cmpi eq, %arg0, %eq3A : i32
    %convert_element_type3A = arith.extui %eq3A_62 : i1 to i32
    %cond3A = arith.constant 0 : i32
    %cond3A_63 = arith.cmpi ne, %convert_element_type3A, %cond3A : i32
    scf.if %cond3A_63 {
      %swap3A_73 = arith.constant 0 : index
      %swap3A_74 = arith.constant 0 : index
      %swap3A_75 = vector.load %arg4[%swap3A_73, %swap3A_74] : memref<1x1xf32, #tpu.memory_space<vmem>>, vector<1x1xf32>
      tpu.vector_store %arg4[%swap3A_73, %swap3A_74], %reshape3A {strides = array<i32>} : memref<1x1xf32, #tpu.memory_space<vmem>>, vector<1x1xf32>,
    } else {
    }
    %gt3A = arith.constant 0 : i32
    %gt3A_64 = arith.cmpi sgt, %arg0, %gt3A : i32
    %convert_element_type3A_65 = arith.extui %gt3A_64 : i1 to i32
    %cond3A_66 = arith.constant 0 : i32
    %cond3A_67 = arith.cmpi ne, %convert_element_type3A_65, %cond3A_66 : i32
    scf.if %cond3A_67 {
      %get3A_73 = arith.constant 0 : index
      %get3A_74 = arith.constant 0 : index
      %get3A_75 = vector.load %arg4[%get3A_73, %get3A_74] : memref<1x1xf32, #tpu.memory_space<vmem>>, vector<1x1xf32>
      %add3A_76 = arith.addf %get3A_75, %reshape3A : vector<1x1xf32>
      %swap3A_77 = arith.constant 0 : index
      %swap3A_78 = arith.constant 0 : index
      %swap3A_79 = vector.load %arg4[%swap3A_77, %swap3A_78] : memref<1x1xf32, #tpu.memory_space<vmem>>, vector<1x1xf32>
      tpu.vector_store %arg4[%swap3A_77, %swap3A_78], %add3A_76 {strides = array<i32>} : memref<1x1xf32, #tpu.memory_space<vmem>>, vector<1x1xf32>,
    } else {
    }
    %eq3A_68 = arith.constant 3 : i32
    %eq3A_69 = arith.cmpi eq, %arg0, %eq3A_68 : i32
    %convert_element_type3A_70 = arith.extui %eq3A_69 : i1 to i32
    %cond3A_71 = arith.constant 0 : i32
    %cond3A_72 = arith.cmpi ne, %convert_element_type3A_70, %cond3A_71 : i32
    scf.if %cond3A_72 {
      %get3A_73 = arith.constant 0 : index
      %get3A_74 = arith.constant 0 : index
      %get3A_75 = vector.load %arg4[%get3A_73, %get3A_74] : memref<1x1xf32, #tpu.memory_space<vmem>>, vector<1x1xf32>
      %div3A_76 = arith.constant 0x4A000000 : f32
      %div3A_77 = vector.broadcast %div3A_76 : f32 to vector<1x1xf32>
      %div3A_78 = arith.divf %get3A_75, %div3A_77 : vector<1x1xf32>
      %mul3A_79 = arith.constant 2.500000e-01 : f32
      %mul3A_80 = vector.broadcast %mul3A_79 : f32 to vector<1x1xf32>
      %mul3A_81 = arith.mulf %div3A_78, %mul3A_80 : vector<1x1xf32>
      %add3A_82 = arith.addf %div3A_78, %mul3A_81 : vector<1x1xf32>
      %mul3A_83 = arith.constant 1.000000e+00 : f32
      %mul3A_84 = vector.broadcast %mul3A_83 : f32 to vector<1x1xf32>
      %mul3A_85 = arith.mulf %add3A_82, %mul3A_84 : vector<1x1xf32>
      %swap3A_86 = arith.constant 0 : index
      %swap3A_87 = arith.constant 0 : index
      %swap3A_88 = vector.load %arg4[%swap3A_86, %swap3A_87] : memref<1x1xf32, #tpu.memory_space<vmem>>, vector<1x1xf32>
      tpu.vector_store %arg4[%swap3A_86, %swap3A_87], %mul3A_85 {strides = array<i32>} : memref<1x1xf32, #tpu.memory_space<vmem>>, vector<1x1xf32>,
    } else {
    }
    return
  }
  func.func @transform_0(%arg0: i32) -> (i32, i32) {
    %c0_i32 = arith.constant 0 : i32
    %c0_i32_0 = arith.constant 0 : i32
    return %arg0, %c0_i32 : i32, i32
  }
  func.func @transform_1(%arg0: i32) -> (i32, i32) {
    %c0_i32 = arith.constant 0 : i32
    %c0_i32_0 = arith.constant 0 : i32
    return %arg0, %c0_i32 : i32, i32
  }
  func.func @transform_2(%arg0: i32) -> (i32, i32) {
    %c0_i32 = arith.constant 0 : i32
    %c0_i32_0 = arith.constant 0 : i32
    return %arg0, %c0_i32 : i32, i32
  }
  func.func @transform_3(%arg0: i32) -> (i32, i32) {
    %c0_i32 = arith.constant 0 : i32
    %c0_i32_0 = arith.constant 0 : i32
    %c0_i32_1 = arith.constant 0 : i32
    return %c0_i32, %c0_i32_0 : i32, i32
  }
}

</mosaic_0001>

<sc_bundles>
// kernel: kernel.5.cloned.1.call-start
scs
__scs_entry_jumppad:
0x0: {  	(pc) =	sbr.rel $0x88, $3  }
0x1: {  	(tag) =	ssettag $0x0;
	lr =	simm.s32 $0x1  }
0x2: {  	[smem:$0x3F9E] =	sst lr;
	_ =	strace $0xD0000000  }
0x3: {  	_ = 	snop  }
0x4: {  	_ = 	snop  }
0x5: {  	_ = 	snop  }
0x6: {  	_ = 	snop  }
0x7: {  	_ = 	snop  }
__scs_overlays_trampoline_lowered:
0x8: {  	[smem:$0x3FAD] =	sst s0  }
0x9: {  	[smem:$0x3FAE] =	sst s1  }
0xa: {  	[smem:$0x3FAF] =	sst s2  }
0xb: {  	[smem:$0x3FB0] =	sst s3  }
0xc: {  	[smem:$0x3FB1] =	sst s4  }
0xd: {  	[smem:$0x3FB2] =	sst s5  }
0xe: {  	[smem:$0x3FB3] =	sst s6  }
0xf: {  	[smem:$0x3FB4] =	sst s7  }
0x10: {  	[smem:$0x3FB5] =	sst s8  }
0x11: {  	[smem:$0x3FB6] =	sst s9;
	s0 =	simm.s32 @!p0 $0x0  }
0x12: {  	s1 =	sld [smem:$0x3F9C];
	s0 =	simm.s32 @p0 $0x1  }
0x13: {  	[smem:$0x3FB7] =	sst s0;
	s0 =	simm.s32 @!p1 $0x0  }
0x14: {  	s2 =	sld [smem:$0x3F9B];
	s0 =	simm.s32 @p1 $0x1  }
0x15: {  	[smem:$0x3FB8] =	sst s0;
	s0 =	simm.s32 @!p2 $0x0  }
0x16: {  	s3 =	sld [smem:$0x3FDB];
	s0 =	simm.s32 @p2 $0x1  }
0x17: {  	s4 =	simm.s32 $0x1BF5;
	[smem:$0x3FBA] =	sst s0  }
0x18: {  	s0 =	sld [smem:$0x3F9D];
	_ =	swait.ge [sflag:s4], $0x0  }
0x19: {  	s7 =	sld [smem:$0x3F9E]  }
0x1a: {  	s8 =	sadd.s32 $0xFFFFE003, lr  }
0x1b: {  	s9 =	sadd.s32 $0xFFFFFEF7, lr;
	s5 =	simm.s32 $0xFFFFFFFF;
	p2 =	slt.u32 s8, $0xFFFFF086  }
0x1c: {  	p1 =	slt.u32 s9, $0xF7A;
	s5 =	simm.s32 @!p2 $0x0  }
0x1d: {  	s5 =	simm.s32 @p1 $0x1;
	p0 =	seq.s32 s7, s2  }
0x1e: {  	s7 =	smul.u32 @!p0 $0xF7A, s2;
	p2 =	seq.s32 @!p0 s5, $0x0  }
0x1f: {  	s9 =	smul.u32 $0xF7A, s1;
	s8 =	simm.s32 @!p0 $0x1BF5;
	p2 =	por !p2, p0  }
0x20: {  	[sflag:s8] =	ssyncset.s32 @!p0 $0xFFFFF086;
	s6 =	sadd.s32 @!p0 s3, s7;
	s7 =	simm.s32 @!p0 $0x108  }
0x21: {  	s3 =	sadd.s32 s3, s9;
	s6 =	sadd.s32 @!p0 $0x88, s6;
	s7 =	simm.s32 @p2 $0x1082  }
0x22: {  	[simem:s7], [sflag:s8] =	dma.local @!p0 [hbm:s6], $0xF7A  }
0x23: {  	s9 =	sor.u32 $0xD0000000, s2;
	s6 =	simm.s32 $0x108;
	_ =	swait.ge @!p0 [sflag:s8], $0x0  }
0x24: {  	s3 =	sadd.s32 $0x88, s3;
	s6 =	simm.s32 @!p1 $0x1082;
	[sflag:s4] =	ssyncset.s32 $0xFFFFF086  }
0x25: {  	[simem:s6], [sflag:s4] =	dma.local [hbm:s3], $0xF7A  }
0x26: {  	[smem:$0x3F9E] =	sst s1;
	(tag) =	ssettag s2;
	_ =	strace s9  }
0x27: {  	s1 =	sld [smem:$0x3FAE]  }
0x28: {  	s2 =	sld [smem:$0x3FAF]  }
0x29: {  	s4 =	sld [smem:$0x3FB1]  }
0x2a: {  	p0 =	seq.s32 s5, $0x0;
	s5 =	sld [smem:$0x3FB2]  }
0x2b: {  	s6 =	sld [smem:$0x3FB3]  }
0x2c: {  	s7 =	sld [smem:$0x3FB4]  }
0x2d: {  	s3 =	simm.s32 $0x108;
	s8 =	sld [smem:$0x3FB5]  }
0x2e: {  	s3 =	simm.s32 @!p0 $0x1082;
	s9 =	sld [smem:$0x3FB6]  }
0x2f: {  	lr =	sadd.s32 s0, s3;
	s0 =	sld [smem:$0x3FAD]  }
0x30: {  	s3 =	sld [smem:$0x3FB0]  }
0x31: {  	[smem:$0x3FB9] =	sst s10  }
0x32: {  	s10 =	sld [smem:$0x3FB7];
	_ =	sdelay $0x3  }
0x33: {  	p0 =	seq.s32 s10, $0x1;
	s10 =	sld [smem:$0x3FB9];
	_ =	sdelay $0x3  }
0x34: {  	[smem:$0x3FB9] =	sst s10  }
0x35: {  	s10 =	sld [smem:$0x3FB8];
	_ =	sdelay $0x3  }
0x36: {  	p1 =	seq.s32 s10, $0x1;
	s10 =	sld [smem:$0x3FB9];
	_ =	sdelay $0x3  }
0x37: {  	[smem:$0x3FB9] =	sst s10  }
0x38: {  	s10 =	sld [smem:$0x3FBA]  }
0x39: {  	_ = 	snop;
	(pc) =	sbr.ind lr, $3  }
0x3a: {  	_ = 	snop  }
0x3b: {  	_ = 	snop  }
0x3c: {  	p2 =	seq.s32 s10, $0x1;
	s10 =	sld [smem:$0x3FB9]  }
0x3d: {  	_ =	shalt  }
0x3e: {  	_ =	shalt  }
0x3f: {  	_ =	shalt  }
0x40: {  	_ =	shalt  }
0x41: {  	_ =	shalt  }
0x42: {  	_ =	shalt  }
0x43: {  	_ =	shalt  }
0x44: {  	_ =	shalt  }
0x45: {  	_ =	shalt  }
0x46: {  	_ =	shalt  }
0x47: {  	_ =	shalt  }
0x48: {  	_ =	shalt  }
0x49: {  	_ =	shalt  }
0x4a: {  	_ =	shalt  }
0x4b: {  	_ =	shalt  }
0x4c: {  	_ =	shalt  }
0x4d: {  	_ =	shalt  }
0x4e: {  	_ =	shalt  }
0x4f: {  	_ =	shalt  }
0x50: {  	_ =	shalt  }
0x51: {  	_ =	shalt  }
0x52: {  	_ =	shalt  }
0x53: {  	_ =	shalt  }
0x54: {  	_ =	shalt  }
0x55: {  	_ =	shalt  }
0x56: {  	_ =	shalt  }
0x57: {  	_ =	shalt  }
0x58: {  	_ =	shalt  }
0x59: {  	_ =	shalt  }
0x5a: {  	_ =	shalt  }
0x5b: {  	_ =	shalt  }
0x5c: {  	_ =	shalt  }
0x5d: {  	_ =	shalt  }
0x5e: {  	_ =	shalt  }
0x5f: {  	_ =	shalt  }
0x60: {  	_ =	shalt  }
0x61: {  	_ =	shalt  }
0x62: {  	_ =	shalt  }
0x63: {  	_ =	shalt  }
0x64: {  	_ =	shalt  }
0x65: {  	_ =	shalt  }
0x66: {  	_ =	shalt  }
0x67: {  	_ =	shalt  }
0x68: {  	_ =	shalt  }
0x69: {  	_ =	shalt  }
0x6a: {  	_ =	shalt  }
0x6b: {  	_ =	shalt  }
0x6c: {  	_ =	shalt  }
0x6d: {  	_ =	shalt  }
0x6e: {  	_ =	shalt  }
0x6f: {  	_ =	shalt  }
0x70: {  	_ =	shalt  }
0x71: {  	_ =	shalt  }
0x72: {  	_ =	shalt  }
0x73: {  	_ =	shalt  }
0x74: {  	_ =	shalt  }
0x75: {  	_ =	shalt  }
0x76: {  	_ =	shalt  }
0x77: {  	_ =	shalt  }
0x78: {  	_ =	shalt  }
0x79: {  	_ =	shalt  }
0x7a: {  	_ =	shalt  }
0x7b: {  	_ =	shalt  }
0x7c: {  	_ =	shalt  }
0x7d: {  	_ =	shalt  }
0x7e: {  	_ =	shalt  }
0x7f: {  	_ =	shalt  }
0x80: {  	_ =	shalt  }
0x81: {  	_ =	shalt  }
0x82: {  	_ =	shalt  }
0x83: {  	_ =	shalt  }
0x84: {  	_ =	shalt  }
0x85: {  	_ =	shalt  }
0x86: {  	_ =	shalt  }
0x87: {  	_ =	shalt  }
.Lfunc_end0:
.L_simem_size_0:
called_computation_lowered:
.L_overlay_start_0:
0x88: {  	s2 =	sld [smem:$0x3FD9]  }
0x89: {  	s3 =	sld [smem:$0x3FFE];
	_ =	sdelay $0x1  }
0x8a: {  	s1 =	srdreg.scid  }
0x8b: {  	s0 =	sand.u32 $0x1, s1  }
0x8c: {  	s14 =	sshll.u32 s0, $0xA;
	s2 =	sadd.s32 s3, s2  }
0x8d: {  	s2 =	sadd.s32 s2, s14  }
0x8e: {  	[smem:$0x3FC5] =	sst s2  }
0x8f: {  	_ = 	snop  }
0x90: {  	s2 =	sld [smem:$0x3FD0];
	_ =	sdelay $0x2  }
0x91: {  	s15 =	simm.s32 $0xA;
	s4 =	simm.s32 $0x10  }
0x92: {  	[smem:s4], [sflag:s15] =	dma.local [hbm:s2], $0x1  }
0x93: {  	_ =	swait.eq [sflag:s15], $0x1  }
0x94: {  	[sflag:s15] =	ssyncset.done $0x0  }
0x95: {  	s16 =	sld [smem:$0x10];
	[sflag:s15] =	ssyncadd.s32 $0xFFFFFFFF  }
0x96: {  	s17 =	sld [smem:$0x12];
	(tm) =	ssettm $0x1  }
0x97: {  	s18 =	sld [smem:$0x3FFB];
	_ =	sdelay $0x3  }
0x98: {  	_ =	strace s18  }
0x99: {  	s4 =	sld [smem:$0x3FFC];
	_ =	sdelay $0x3  }
0x9a: {  	_ =	strace s4  }
0x9b: {  	s4 =	sld [smem:$0x3FFD];
	_ =	sdelay $0x3  }
0x9c: {  	_ =	strace s4  }
0x9d: {  	_ =	strace $0x8FFFFFFF  }
0x9e: {  	s19 =	sld [smem:$0x3FDB];
	_ =	sdelay $0x1  }
0x9f: {  	s5 =	simm.s32 $_scs_section_size  }
0xa0: {  	s6 =	simm.s32 $_size__tile_overlayer_lowered;
	s7 =	simm.s32 $_tile_overlayer_lowered  }
0xa1: {  	s22 =	simm.s32 $0x1BFF;
	s21 =	sshll.u32 s7, $0x1;
	s4 =	sadd.s32 s5, s19  }
0xa2: {  	s8 =	simm.s32 $0x0;
	s20 =	sshll.u32 s6, $0x1;
	s6 =	sadd.s32 s21, s4  }
0xa3: {  	[timem:s8], [sflag:s22] =	dma.local [hbm:s6], s20  }
0xa4: {  	_ =	swait.ge [sflag:s22], s20  }
0xa5: {  	s5 =	ssub.s32 $0x0, s20;
	[sflag:s22] =	ssyncset.done $0x0  }
0xa6: {  	[sflag:s22] =	ssyncadd.s32 s5;
	_ =	sdelay $0x1  }
0xa7: {  	s23 =	simm.s32 $0x1B8B  }
0xa8: {  	_ =	swait.ge [sflag:s23], $0x1  }
0xa9: {  	[sflag:s23] =	ssyncset.done $0x0  }
0xaa: {  	s25 =	simm.s32 $0x1B8E;
	s24 =	sld [smem:$0x3FFE];
	[sflag:s23] =	ssyncadd.s32 $0xFFFFFFFF  }
0xab: {  	s26 =	simm.s32 $execute0_lowered;
	[smem:$0x3FD2] =	sst s25  }
0xac: {  	s6 =	sshll.u32 s26, $0x1;
	_ =	strace $0x80000046;
	[dreg:$0x1] =	wrdreg $0xFFFFFFFF  }
0xad: {  	s28 =	simm.s32 $_size_execute0_lowered;
	s4 =	sadd.s32 s4, s6;
	[dreg:$0x0] =	wrdreg $0x0  }
0xae: {  	s6 =	sshll.u32 s28, $0x1;
	[dreg:$0x2] =	wrdreg s4  }
0xaf: {  	[dreg:$0x3] =	wrdreg s6  }
0xb0: {  	[dreg:$0x4] =	wrdreg $0xC0  }
0xb1: {  	_ =	task [dreg:s8], $0x5FFFF  }
0xb2: {  	[dreg:$0x1] =	wrdreg $0xFFFFFFFF  }
0xb3: {  	[dreg:$0x0] =	wrdreg $0x60  }
0xb4: {  	[dreg:$0x2] =	wrdreg s16  }
0xb5: {  	[dreg:$0x3] =	wrdreg s17  }
0xb6: {  	[dreg:$0x4] =	wrdreg s24  }
0xb7: {  	[dreg:$0x5] =	wrdreg $0x9  }
0xb8: {  	_ =	task.clear_ibuf [dreg:s8], $0x6FFFF;
	_ =	strace $0x90000046  }
0xb9: {  	s29 =	simm.s32 $0x9;
	_ =	strace $0x80000048  }
0xba: {  	_ =	swait.ge [sflag:s29], $0x1  }
0xbb: {  	[sflag:s29] =	ssyncadd.s32 $0xFFFFFFFF  }
0xbc: {  	_ =	strace $0x90000048  }
0xbd: {  	_ =	sfence  }
0xbe: {  	s30 =	sld [smem:$0x0];
	_ =	sdelay $0x2  }
0xbf: {  	s31 =	sshll.u32 s1, $0xD;
	s1 =	sshrl.u32 s1, $0x2  }
0xc0: {  	s3 =	sand.u32 $0x4000, s31;
	s1 =	sadd.s32 s1, s30  }
0xc1: {  	s0 =	sor.u32 s3, s0;
	s1 =	sshll.u32 s1, $0x11  }
0xc2: {  	s0 =	sor.u32 s1, s0  }
0xc3: {  	s0 =	sadd.s32 $0x8F2B, s0  }
0xc4: {  	[sflag:s0] =	ssyncadd.remote.s32 $0x1  }
0xc5: {  	_ =	sfence.sel $0xFFFF  }
0xc6: {  	[dreg:$0x0] =	wrdreg $0xFFFFFFFF;
	(pc) =	sbr.abs _section_cstart, $3  }
0xc7: {  	[dreg:$0x1] =	wrdreg $0xFFFFFFFF  }
0xc8: {  	_ =	task.clear_ibuf [dreg:s8], $0x2FFFF;
	_ =	strace $0x9FFFFFFF  }
0xc9: {  	(tm) =	ssettm $0x7FFFFFFF  }
tec
execute0_lowered:
.L_overlay_start_1:
0x0: {  	(tag) =	ssettag $0x1  }
0x1: {  	s1 =	rddreg [dreg:$0x0]  }
0x2: {  	s2 =	srdreg.scid;
	s4 =	rddreg [dreg:$0x1]  }
0x3: {  	s0 =	stileid.u32;
	s5 =	rddreg [dreg:$0x2]  }
0x4: {  	s3 =	simm.s32 $0x0;
	s16 =	simm.s32 $0x900;
	s17 =	simm.s32 $0x1100  }
0x5: {  	s18 =	simm.s32 $0x1900;
	s19 =	simm.s32 $0x2100;
	s20 =	simm.s32 $0x2900  }
0x6: {  	s21 =	simm.s32 $0x3100;
	s23 =	simm.s32 $0x3900;
	[smem:$0x7FF] =	sst s3  }
0x7: {  	s24 =	simm.s32 $0x4100;
	_ =	strace $0x80000047;
	[dreg:$0x7] =	wrdreg s16  }
0x8: {  	s25 =	simm.s32 $0x4900;
	s26 =	simm.s32 $0x5100;
	[dreg:$0x8] =	wrdreg s17  }
0x9: {  	s8 =	simm.s32 $0x6100;
	s9 =	simm.s32 $0x6900;
	[dreg:$0x9] =	wrdreg s18  }
0xa: {  	s10 =	simm.s32 $0x7100;
	s11 =	simm.s32 $0x7900;
	[dreg:$0xa] =	wrdreg s19  }
0xb: {  	s12 =	simm.s32 $0x8100;
	s13 =	simm.s32 $0x8900;
	[dreg:$0xb] =	wrdreg s20  }
0xc: {  	s28 =	simm.s32 $0xF900;
	s29 =	simm.s32 $0x1;
	[dreg:$0xc] =	wrdreg s21  }
0xd: {  	s30 =	simm.s32 $0x2;
	s31 =	simm.s32 $0x3;
	[dreg:$0xd] =	wrdreg s23  }
0xe: {  	s2 =	sand.u32 $0x1, s2;
	s6 =	sshll.u32 s0, $0x9;
	[dreg:$0xe] =	wrdreg s24  }
0xf: {  	s7 =	sshll.u32 s2, $0x8;
	s2 =	ssub.s32 $0x2, s2;
	[dreg:$0xf] =	wrdreg s25  }
0x10: {  	[dreg:$0x10] =	wrdreg s26;
	s16 =	simm.s32 $0xA100;
	s17 =	simm.s32 $0xA900  }
0x11: {  	s18 =	simm.s32 $0xB100;
	s19 =	simm.s32 $0xB900;
	s20 =	simm.s32 $0xC100  }
0x12: {  	s21 =	simm.s32 $0xC900;
	s23 =	simm.s32 $0xD900;
	s24 =	simm.s32 $0xE100  }
0x13: {  	s25 =	simm.s32 $0xE900;
	s26 =	simm.s32 $0xF100;
	s6 =	sor.u32 s7, s6  }
0x14: {  	s22 =	sshrl.u32 s2, $0x1;
	s7 =	sshll.u32 s6, $0x5;
	s6 =	sshrl.u32 s6, $0x3  }
0x15: {  	s2 =	ssub.s32 s2, s22;
	s22 =	simm.s32 $0xD100;
	s4 =	sadd.s32 s4, s6  }
0x16: {  	s5 =	sadd.s32 s7, s5;
	s6 =	simm.s32 $0x100;
	[dreg:$0x4] =	wrdreg s4  }
0x17: {  	v2 =	vlaneseq.u32;
	s14 =	sadd.s32 $0xE00, s5;
	s15 =	sadd.s32 $0x1E00, s5;
	s4 =	smax.u32 s2, $0x1  }
0x18: {  	vm0 =	vmmov $0xffff;
	v1 =	vshrl.u32 v2, $0x3;
	s5 =	simm.s32 $0x5;
	s2 =	simm.s32 $0x4;
	[dreg:$0x5] =	wrdreg s14  }
0x19: {  	v0 =	vand.u32 $0x7, v2;
	v2 =	vor.u32 $0x8, v2;
	v1 =	vmul.u32 $0x8, v1;
	[dreg:$0x6] =	wrdreg s15;
	s14 =	simm.s32 $0x9100;
	s15 =	simm.s32 $0x9900  }
.LBB2_1:
0x1a: {  	s0 =	rddreg [dreg:$0x4]  }
0x1b: {  	[tilespmem:s3], [sflag:$0x5] =	stream.linear.gather [hbm4b:s0+s3], $0x100, $0x38;
	[tilespmem:$0x10100] =	vst v63  }
0x1c: {  	_ =	swait.ge [sflag:s5], $0x100  }
0x1d: {  	[sflag:s5] =	ssyncset.done $0x0  }
0x1e: {  	[sflag:s5] =	ssyncadd.s32 $0xFFFFFF00  }
0x1f: {  	v3 =	vld [tilespmem:$0x0];
	_ =	sdelay $0x4  }
0x20: {  	v4 =	vshll.u32 v3, $0x1  }
0x21: {  	v3 =	vand.u32 $0x7, v3;
	v4 =	vand.u32 $0xFFFFFFF0, v4  }
0x22: {  	v3 =	vor.u32 v3, v4  }
0x23: {  	v4 =	vperm.xlane v3, v0;
	_ =	sdelay $0x1  }
0x24: {  	v3 =	vperm.xlane v3, v2;
	v4 =	vadd.s32 v1, v4;
	_ =	sdelay $0x1  }
0x25: {  	v3 =	vadd.s32 v1, v3;
	_ =	sdelay $0x2  }
0x26: {  	[tilespmem:s6], [sflag:$0x1] =	stream.indirect_vreg.gather [hbm4b:s1+s3], $0x80, v4, vm0, $0xb8;
	[tilespmem:$0x10100] =	vst v63  }
0x27: {  	s7 =	rddreg [dreg:$0x7]  }
0x28: {  	[tilespmem:s7], [sflag:$0x1] =	stream.indirect_vreg.gather [hbm4b:s1+s3], $0x80, v3, vm0, $0xb8;
	[tilespmem:$0x10100] =	vst v63  }
0x29: {  	v3 =	vld [tilespmem:$0x10];
	_ =	sdelay $0x4  }
0x2a: {  	v49 =	vshll.u32 v3, $0x1  }
0x2b: {  	v3 =	vand.u32 $0x7, v3;
	v4 =	vand.u32 $0xFFFFFFF0, v49  }
0x2c: {  	v3 =	vor.u32 v3, v4  }
0x2d: {  	v4 =	vperm.xlane v3, v0;
	_ =	sdelay $0x1  }
0x2e: {  	v3 =	vperm.xlane v3, v2;
	v4 =	vadd.s32 v1, v4;
	_ =	sdelay $0x1  }
0x2f: {  	v3 =	vadd.s32 v1, v3;
	_ =	sdelay $0x1  }
0x30: {  	s0 =	rddreg [dreg:$0x8]  }
0x31: {  	[tilespmem:s0], [sflag:$0x1] =	stream.indirect_vreg.gather [hbm4b:s1+s3], $0x80, v4, vm0, $0xb8;
	[tilespmem:$0x10100] =	vst v63  }
0x32: {  	s7 =	rddreg [dreg:$0x9]  }
0x33: {  	[tilespmem:s7], [sflag:$0x1] =	stream.indirect_vreg.gather [hbm4b:s1+s3], $0x80, v3, vm0, $0xb8;
	[tilespmem:$0x10100] =	vst v63  }
0x34: {  	v3 =	vld [tilespmem:$0x20];
	_ =	sdelay $0x4  }
0x35: {  	v50 =	vshll.u32 v3, $0x1  }
0x36: {  	v3 =	vand.u32 $0x7, v3;
	v4 =	vand.u32 $0xFFFFFFF0, v50  }
0x37: {  	v3 =	vor.u32 v3, v4  }
0x38: {  	v4 =	vperm.xlane v3, v0;
	_ =	sdelay $0x1  }
0x39: {  	v3 =	vperm.xlane v3, v2;
	v4 =	vadd.s32 v1, v4;
	_ =	sdelay $0x1  }
0x3a: {  	v3 =	vadd.s32 v1, v3;
	_ =	sdelay $0x1  }
0x3b: {  	s0 =	rddreg [dreg:$0xa]  }
0x3c: {  	[tilespmem:s0], [sflag:$0x1] =	stream.indirect_vreg.gather [hbm4b:s1+s3], $0x80, v4, vm0, $0xb8;
	[tilespmem:$0x10100] =	vst v63  }
0x3d: {  	s7 =	rddreg [dreg:$0xb]  }
0x3e: {  	[tilespmem:s7], [sflag:$0x1] =	stream.indirect_vreg.gather [hbm4b:s1+s3], $0x80, v3, vm0, $0xb8;
	[tilespmem:$0x10100] =	vst v63  }
0x3f: {  	v3 =	vld [tilespmem:$0x30];
	_ =	sdelay $0x4  }
0x40: {  	v51 =	vshll.u32 v3, $0x1  }
0x41: {  	v3 =	vand.u32 $0x7, v3;
	v4 =	vand.u32 $0xFFFFFFF0, v51  }
0x42: {  	v3 =	vor.u32 v3, v4  }
0x43: {  	v4 =	vperm.xlane v3, v0;
	_ =	sdelay $0x1  }
0x44: {  	v3 =	vperm.xlane v3, v2;
	v4 =	vadd.s32 v1, v4;
	_ =	sdelay $0x1  }
0x45: {  	v3 =	vadd.s32 v1, v3;
	_ =	sdelay $0x1  }
0x46: {  	s0 =	rddreg [dreg:$0xc]  }
0x47: {  	[tilespmem:s0], [sflag:$0x1] =	stream.indirect_vreg.gather [hbm4b:s1+s3], $0x80, v4, vm0, $0xb8;
	[tilespmem:$0x10100] =	vst v63  }
0x48: {  	s7 =	rddreg [dreg:$0xd]  }
0x49: {  	[tilespmem:s7], [sflag:$0x1] =	stream.indirect_vreg.gather [hbm4b:s1+s3], $0x80, v3, vm0, $0xb8;
	[tilespmem:$0x10100] =	vst v63  }
0x4a: {  	v3 =	vld [tilespmem:$0x40];
	_ =	sdelay $0x4  }
0x4b: {  	v52 =	vshll.u32 v3, $0x1  }
0x4c: {  	v3 =	vand.u32 $0x7, v3;
	v4 =	vand.u32 $0xFFFFFFF0, v52  }
0x4d: {  	v3 =	vor.u32 v3, v4  }
0x4e: {  	v4 =	vperm.xlane v3, v0;
	_ =	sdelay $0x1  }
0x4f: {  	v3 =	vperm.xlane v3, v2;
	v4 =	vadd.s32 v1, v4;
	_ =	sdelay $0x1  }
0x50: {  	v3 =	vadd.s32 v1, v3;
	_ =	sdelay $0x1  }
0x51: {  	s0 =	rddreg [dreg:$0xe]  }
0x52: {  	[tilespmem:s0], [sflag:$0x1] =	stream.indirect_vreg.gather [hbm4b:s1+s3], $0x80, v4, vm0, $0xb8;
	[tilespmem:$0x10100] =	vst v63  }
0x53: {  	s7 =	rddreg [dreg:$0xf]  }
0x54: {  	[tilespmem:s7], [sflag:$0x1] =	stream.indirect_vreg.gather [hbm4b:s1+s3], $0x80, v3, vm0, $0xb8;
	[tilespmem:$0x10100] =	vst v63  }
0x55: {  	v3 =	vld [tilespmem:$0x50];
	_ =	sdelay $0x4  }
0x56: {  	v53 =	vshll.u32 v3, $0x1  }
0x57: {  	v3 =	vand.u32 $0x7, v3;
	v4 =	vand.u32 $0xFFFFFFF0, v53  }
0x58: {  	v3 =	vor.u32 v3, v4  }
0x59: {  	v4 =	vperm.xlane v3, v0;
	_ =	sdelay $0x1  }
0x5a: {  	v3 =	vperm.xlane v3, v2;
	v4 =	vadd.s32 v1, v4;
	_ =	sdelay $0x1  }
0x5b: {  	v3 =	vadd.s32 v1, v3;
	_ =	sdelay $0x1  }
0x5c: {  	s7 =	rddreg [dreg:$0x10]  }
0x5d: {  	[tilespmem:s7], [sflag:$0x1] =	stream.indirect_vreg.gather [hbm4b:s1+s3], $0x80, v4, vm0, $0xb8;
	[tilespmem:$0x10100] =	vst v63  }
0x5e: {  	s7 =	simm.s32 $0x5900  }
0x5f: {  	[tilespmem:s7], [sflag:$0x1] =	stream.indirect_vreg.gather [hbm4b:s1+s3], $0x80, v3, vm0, $0xb8;
	[tilespmem:$0x10100] =	vst v63  }
0x60: {  	v3 =	vld [tilespmem:$0x60];
	_ =	sdelay $0x4  }
0x61: {  	v54 =	vshll.u32 v3, $0x1  }
0x62: {  	v3 =	vand.u32 $0x7, v3;
	v4 =	vand.u32 $0xFFFFFFF0, v54  }
0x63: {  	v3 =	vor.u32 v3, v4  }
0x64: {  	v4 =	vperm.xlane v3, v0;
	_ =	sdelay $0x1  }
0x65: {  	v3 =	vperm.xlane v3, v2;
	v4 =	vadd.s32 v1, v4;
	_ =	sdelay $0x1  }
0x66: {  	v3 =	vadd.s32 v1, v3;
	_ =	sdelay $0x2  }
0x67: {  	[tilespmem:s8], [sflag:$0x1] =	stream.indirect_vreg.gather [hbm4b:s1+s3], $0x80, v4, vm0, $0xb8;
	[tilespmem:$0x10100] =	vst v63  }
0x68: {  	_ = 	snop  }
0x69: {  	[tilespmem:s9], [sflag:$0x1] =	stream.indirect_vreg.gather [hbm4b:s1+s3], $0x80, v3, vm0, $0xb8;
	[tilespmem:$0x10100] =	vst v63  }
0x6a: {  	v3 =	vld [tilespmem:$0x70];
	_ =	sdelay $0x4  }
0x6b: {  	v55 =	vshll.u32 v3, $0x1  }
0x6c: {  	v3 =	vand.u32 $0x7, v3;
	v4 =	vand.u32 $0xFFFFFFF0, v55  }
0x6d: {  	v3 =	vor.u32 v3, v4  }
0x6e: {  	v4 =	vperm.xlane v3, v0;
	_ =	sdelay $0x1  }
0x6f: {  	v3 =	vperm.xlane v3, v2;
	v4 =	vadd.s32 v1, v4;
	_ =	sdelay $0x1  }
0x70: {  	v3 =	vadd.s32 v1, v3;
	_ =	sdelay $0x2  }
0x71: {  	[tilespmem:s10], [sflag:$0x1] =	stream.indirect_vreg.gather [hbm4b:s1+s3], $0x80, v4, vm0, $0xb8;
	[tilespmem:$0x10100] =	vst v63  }
0x72: {  	_ = 	snop  }
0x73: {  	[tilespmem:s11], [sflag:$0x1] =	stream.indirect_vreg.gather [hbm4b:s1+s3], $0x80, v3, vm0, $0xb8;
	[tilespmem:$0x10100] =	vst v63  }
0x74: {  	v3 =	vld [tilespmem:$0x80];
	_ =	sdelay $0x4  }
0x75: {  	v56 =	vshll.u32 v3, $0x1  }
0x76: {  	v3 =	vand.u32 $0x7, v3;
	v4 =	vand.u32 $0xFFFFFFF0, v56  }
0x77: {  	v3 =	vor.u32 v3, v4  }
0x78: {  	v4 =	vperm.xlane v3, v0;
	_ =	sdelay $0x1  }
0x79: {  	v3 =	vperm.xlane v3, v2;
	v4 =	vadd.s32 v1, v4;
	_ =	sdelay $0x1  }
0x7a: {  	v3 =	vadd.s32 v1, v3;
	_ =	sdelay $0x2  }
0x7b: {  	[tilespmem:s12], [sflag:$0x2] =	stream.indirect_vreg.gather [hbm4b:s1+s3], $0x80, v4, vm0, $0xb8;
	[tilespmem:$0x10100] =	vst v63  }
0x7c: {  	_ = 	snop  }
0x7d: {  	[tilespmem:s13], [sflag:$0x2] =	stream.indirect_vreg.gather [hbm4b:s1+s3], $0x80, v3, vm0, $0xb8;
	[tilespmem:$0x10100] =	vst v63  }
0x7e: {  	v3 =	vld [tilespmem:$0x90];
	_ =	sdelay $0x4  }
0x7f: {  	v57 =	vshll.u32 v3, $0x1  }
0x80: {  	v3 =	vand.u32 $0x7, v3;
	v4 =	vand.u32 $0xFFFFFFF0, v57  }
0x81: {  	v3 =	vor.u32 v3, v4  }
0x82: {  	v4 =	vperm.xlane v3, v0;
	_ =	sdelay $0x1  }
0x83: {  	v3 =	vperm.xlane v3, v2;
	v4 =	vadd.s32 v1, v4;
	_ =	sdelay $0x1  }
0x84: {  	v3 =	vadd.s32 v1, v3;
	_ =	sdelay $0x2  }
0x85: {  	[tilespmem:s14], [sflag:$0x2] =	stream.indirect_vreg.gather [hbm4b:s1+s3], $0x80, v4, vm0, $0xb8;
	[tilespmem:$0x10100] =	vst v63  }
0x86: {  	_ = 	snop  }
0x87: {  	[tilespmem:s15], [sflag:$0x2] =	stream.indirect_vreg.gather [hbm4b:s1+s3], $0x80, v3, vm0, $0xb8;
	[tilespmem:$0x10100] =	vst v63  }
0x88: {  	v3 =	vld [tilespmem:$0xA0];
	_ =	sdelay $0x4  }
0x89: {  	v58 =	vshll.u32 v3, $0x1  }
0x8a: {  	v3 =	vand.u32 $0x7, v3;
	v4 =	vand.u32 $0xFFFFFFF0, v58  }
0x8b: {  	v3 =	vor.u32 v3, v4  }
0x8c: {  	v4 =	vperm.xlane v3, v0;
	_ =	sdelay $0x1  }
0x8d: {  	v3 =	vperm.xlane v3, v2;
	v4 =	vadd.s32 v1, v4;
	_ =	sdelay $0x1  }
0x8e: {  	v3 =	vadd.s32 v1, v3;
	_ =	sdelay $0x2  }
0x8f: {  	[tilespmem:s16], [sflag:$0x2] =	stream.indirect_vreg.gather [hbm4b:s1+s3], $0x80, v4, vm0, $0xb8;
	[tilespmem:$0x10100] =	vst v63  }
0x90: {  	_ = 	snop  }
0x91: {  	[tilespmem:s17], [sflag:$0x2] =	stream.indirect_vreg.gather [hbm4b:s1+s3], $0x80, v3, vm0, $0xb8;
	[tilespmem:$0x10100] =	vst v63  }
0x92: {  	v3 =	vld [tilespmem:$0xB0];
	_ =	sdelay $0x4  }
0x93: {  	v59 =	vshll.u32 v3, $0x1  }
0x94: {  	v3 =	vand.u32 $0x7, v3;
	v4 =	vand.u32 $0xFFFFFFF0, v59  }
0x95: {  	v3 =	vor.u32 v3, v4  }
0x96: {  	v4 =	vperm.xlane v3, v0;
	_ =	sdelay $0x1  }
0x97: {  	v3 =	vperm.xlane v3, v2;
	v4 =	vadd.s32 v1, v4;
	_ =	sdelay $0x1  }
0x98: {  	v3 =	vadd.s32 v1, v3;
	_ =	sdelay $0x2  }
0x99: {  	[tilespmem:s18], [sflag:$0x2] =	stream.indirect_vreg.gather [hbm4b:s1+s3], $0x80, v4, vm0, $0xb8;
	[tilespmem:$0x10100] =	vst v63  }
0x9a: {  	_ = 	snop  }
0x9b: {  	[tilespmem:s19], [sflag:$0x2] =	stream.indirect_vreg.gather [hbm4b:s1+s3], $0x80, v3, vm0, $0xb8;
	[tilespmem:$0x10100] =	vst v63  }
0x9c: {  	v3 =	vld [tilespmem:$0xC0];
	_ =	sdelay $0x4  }
0x9d: {  	v60 =	vshll.u32 v3, $0x1  }
0x9e: {  	v3 =	vand.u32 $0x7, v3;
	v4 =	vand.u32 $0xFFFFFFF0, v60  }
0x9f: {  	v3 =	vor.u32 v3, v4  }
0xa0: {  	v4 =	vperm.xlane v3, v0;
	_ =	sdelay $0x1  }
0xa1: {  	v3 =	vperm.xlane v3, v2;
	v4 =	vadd.s32 v1, v4;
	_ =	sdelay $0x1  }
0xa2: {  	v3 =	vadd.s32 v1, v3;
	_ =	sdelay $0x2  }
0xa3: {  	[tilespmem:s20], [sflag:$0x2] =	stream.indirect_vreg.gather [hbm4b:s1+s3], $0x80, v4, vm0, $0xb8;
	[tilespmem:$0x10100] =	vst v63  }
0xa4: {  	_ = 	snop  }
0xa5: {  	[tilespmem:s21], [sflag:$0x2] =	stream.indirect_vreg.gather [hbm4b:s1+s3], $0x80, v3, vm0, $0xb8;
	[tilespmem:$0x10100] =	vst v63  }
0xa6: {  	v3 =	vld [tilespmem:$0xD0];
	_ =	sdelay $0x4  }
0xa7: {  	v61 =	vshll.u32 v3, $0x1  }
0xa8: {  	v3 =	vand.u32 $0x7, v3;
	v4 =	vand.u32 $0xFFFFFFF0, v61  }
0xa9: {  	v3 =	vor.u32 v3, v4  }
0xaa: {  	v4 =	vperm.xlane v3, v0;
	_ =	sdelay $0x1  }
0xab: {  	v3 =	vperm.xlane v3, v2;
	v4 =	vadd.s32 v1, v4;
	_ =	sdelay $0x1  }
0xac: {  	v3 =	vadd.s32 v1, v3;
	_ =	sdelay $0x2  }
0xad: {  	[tilespmem:s22], [sflag:$0x2] =	stream.indirect_vreg.gather [hbm4b:s1+s3], $0x80, v4, vm0, $0xb8;
	[tilespmem:$0x10100] =	vst v63  }
0xae: {  	_ = 	snop  }
0xaf: {  	[tilespmem:s23], [sflag:$0x2] =	stream.indirect_vreg.gather [hbm4b:s1+s3], $0x80, v3, vm0, $0xb8;
	[tilespmem:$0x10100] =	vst v63  }
0xb0: {  	v3 =	vld [tilespmem:$0xE0];
	_ =	sdelay $0x4  }
0xb1: {  	v62 =	vshll.u32 v3, $0x1  }
0xb2: {  	v3 =	vand.u32 $0x7, v3;
	v4 =	vand.u32 $0xFFFFFFF0, v62  }
0xb3: {  	v3 =	vor.u32 v3, v4  }
0xb4: {  	v4 =	vperm.xlane v3, v0;
	_ =	sdelay $0x1  }
0xb5: {  	v3 =	vperm.xlane v3, v2;
	v4 =	vadd.s32 v1, v4;
	_ =	sdelay $0x1  }
0xb6: {  	v3 =	vadd.s32 v1, v3;
	_ =	sdelay $0x2  }
0xb7: {  	[tilespmem:s24], [sflag:$0x2] =	stream.indirect_vreg.gather [hbm4b:s1+s3], $0x80, v4, vm0, $0xb8;
	[tilespmem:$0x10100] =	vst v63  }
0xb8: {  	_ = 	snop  }
0xb9: {  	[tilespmem:s25], [sflag:$0x2] =	stream.indirect_vreg.gather [hbm4b:s1+s3], $0x80, v3, vm0, $0xb8;
	[tilespmem:$0x10100] =	vst v63  }
0xba: {  	v3 =	vld [tilespmem:$0xF0];
	_ =	sdelay $0x4  }
0xbb: {  	v63 =	vshll.u32 v3, $0x1  }
0xbc: {  	v3 =	vand.u32 $0x7, v3;
	v4 =	vand.u32 $0xFFFFFFF0, v63  }
0xbd: {  	v3 =	vor.u32 v3, v4  }
0xbe: {  	v4 =	vperm.xlane v3, v0;
	_ =	sdelay $0x1  }
0xbf: {  	v3 =	vperm.xlane v3, v2;
	v4 =	vadd.s32 v1, v4;
	_ =	sdelay $0x1  }
0xc0: {  	v3 =	vadd.s32 v1, v3;
	_ =	sdelay $0x2  }
0xc1: {  	[tilespmem:s26], [sflag:$0x2] =	stream.indirect_vreg.gather [hbm4b:s1+s3], $0x80, v4, vm0, $0xb8;
	[tilespmem:$0x10100] =	vst v63  }
0xc2: {  	_ = 	snop  }
0xc3: {  	[tilespmem:s28], [sflag:$0x2] =	stream.indirect_vreg.gather [hbm4b:s1+s3], $0x80, v3, vm0, $0xb8;
	[tilespmem:$0x10100] =	vst v63  }
0xc4: {  	_ =	swait.ge [sflag:s29], $0x8000  }
0xc5: {  	[sflag:s29] =	ssyncset.done $0x0  }
0xc6: {  	s7 =	rddreg [dreg:$0x5];
	[sflag:s29] =	ssyncadd.s32 $0xFFFF8000  }
0xc7: {  	[hbm4b:s7+s3] =	stream.linear.scatter [tilespmem:s6], [sflag:$0x3], $0x8000, $0x38;
	[tilespmem:$0x10100] =	vst v63  }
0xc8: {  	_ =	swait.ge [sflag:s30], $0x8000  }
0xc9: {  	[sflag:s30] =	ssyncset.done $0x0  }
0xca: {  	s7 =	rddreg [dreg:$0x6];
	[sflag:s30] =	ssyncadd.s32 $0xFFFF8000  }
0xcb: {  	[hbm4b:s7+s3] =	stream.linear.scatter [tilespmem:s12], [sflag:$0x4], $0x8000, $0x38;
	[tilespmem:$0x10100] =	vst v63  }
0xcc: {  	p0 =	sne.s32 s4, $0x1;
	_ =	swait.ge [sflag:s31], $0x8000  }
.Ltmp0:
0xcd: {  	[sflag:s31] =	ssyncset.done $0x0;
	(pc) =	sbr.rel @p0 .LBB2_1-.Ltmp0, $4  }
0xce: {  	[sflag:s31] =	ssyncadd.s32 $0xFFFF8000  }
0xcf: {  	_ =	swait.ge [sflag:s2], $0x8000  }
0xd0: {  	[sflag:s2] =	ssyncset.done $0x0  }
0xd1: {  	s4 =	sadd.s32 $0xFFFFFFFF, s4;
	[sflag:s2] =	ssyncadd.s32 $0xFFFF8000  }
0xd2: {  	_ =	sfence.sel $0x180000  }
0xd3: {  	[bflag:$0x0] =	sbarrier.arrive $0xFFFF  }
0xd4: {  	_ =	strace $0x90000047  }
0xd5: {  	s0 =	stileid.u32;
	[bflag:$0x2] =	sbarrier.arrive $0xFFFF  }
0xd6: {  	p0 =	sne.s32 s0, $0x0;
	s0 =	rddreg [dreg:$0x3]  }
0xd7: {  	s0 =	sadd.s32 @!p0 $0x100000, s0  }
0xd8: {  	[sflag:s0] =	ssyncadd.tile.s32 @!p0 $0x1;
	_ =	shalt  }
.Lfunc_end2:
_tile_overlayer_lowered:
.L_overlay_start_2:
0xd9: {  	(tag) =	ssettag $0x2  }
0xda: {  	s0 =	rddreg [dreg:$0x0];
	s2 =	stileid.u32  }
0xdb: {  	s1 =	rddreg [dreg:$0x1];
	p0 =	sne.s32 s2, $0x0  }
0xdc: {  	s3 =	rddreg [dreg:$0x2];
	[bflag:$0x3] =	sbarrier.arrive $0xFFFF;
	s2 =	simm.s32 @!p0 $0x1C05  }
0xdd: {  	[timem:s3], [sflag:s2] =	dma.local @!p0 [hbm:s0], s1  }
0xde: {  	s0 =	simm.s32 @!p0 $0x5  }
0xdf: {  	_ =	swait.ge @!p0 [sflag:s0], s1  }
0xe0: {  	s1 =	ssub.s32 @!p0 $0x0, s1;
	[sflag:s0] =	ssyncset.done @!p0 $0x0  }
0xe1: {  	[sflag:s0] =	ssyncadd.s32 @!p0 s1  }
0xe2: {  	[bflag:$0x3] =	sbarrier.arrive $0xFFFF  }
0xe3: {  	_ =	shalt  }

</sc_bundles>
